<compile_context>
chip_gen: v7x
topology: tpu7x:2x2x1
jax: 0.10.2.dev20260603
libtpu: 0.0.44.dev20260713+nightly
codegen_flags: <defaults>
</compile_context>

<pallas_src>
import functools

import jax
import jax.numpy as jnp
from jax import lax
from jax.experimental import pallas as pl
from jax.experimental.pallas import tpu as pltpu
from jax.experimental.pallas import tpu_sc as plsc

N = 10000
E = 320000
D = 128
G = 16

NPAD = 10240
NW = 32
EPT = E // NW
K = 128
NCHUNK = (EPT + K - 1) // K
EPT_PAD = NCHUNK * K
ROWS_PER_TILE = NPAD // G
RB = 1024
NBLK = NPAD // RB

_mesh = plsc.VectorSubcoreMesh(core_axis_name="c", subcore_axis_name="s")



@functools.partial(
    pl.kernel,
    out_type=jax.ShapeDtypeStruct((2, NPAD), jnp.float32),
    mesh=_mesh,
    scratch_types=[
        pltpu.VMEM((NCHUNK, K), jnp.int32),
        pltpu.VMEM((NCHUNK, K), jnp.float32),
        pltpu.VMEM((ROWS_PER_TILE,), jnp.float32),
        pltpu.VMEM_SHARED((NPAD,), jnp.float32),
    ],
)
def _sc_degree(dst_hbm, ew_hbm, out_hbm, dst_v, ew_v, zbuf, deg_sh):
    cid = lax.axis_index("c")
    sid = lax.axis_index("s")
    wid = cid * 16 + sid
    zero16 = jnp.zeros((16,), jnp.float32)

    def zfill(i, _):
        zbuf[pl.ds(i * 16, 16)] = zero16
        return _

    lax.fori_loop(0, ROWS_PER_TILE // 16, zfill, None)
    pltpu.sync_copy(zbuf, deg_sh.at[pl.ds(sid * ROWS_PER_TILE, ROWS_PER_TILE)])
    plsc.subcore_barrier()

    pltpu.sync_copy(dst_hbm.at[wid], dst_v)
    pltpu.sync_copy(ew_hbm.at[wid], ew_v)

    def chunk(c, _):
        pltpu.sync_copy(ew_v.at[c], deg_sh.at[dst_v.at[c]], add=True)
        return _

    lax.fori_loop(0, NCHUNK, chunk, None)
    plsc.subcore_barrier()
    pltpu.sync_copy(
        deg_sh.at[pl.ds(sid * ROWS_PER_TILE, ROWS_PER_TILE)],
        out_hbm.at[cid, pl.ds(sid * ROWS_PER_TILE, ROWS_PER_TILE)],
    )


NH = NPAD // 2
ACC_ROWS = NH + 16
EPC = E // G
NCHUNK_E = (EPC + K - 1) // K
EPC_PAD = NCHUNK_E * K
ZROWS = ACC_ROWS // 16
CROWS = NH // 16


@functools.partial(
    pl.kernel,
    out_type=jax.ShapeDtypeStruct((NPAD, D), jnp.float32),
    mesh=_mesh,
    scratch_types=[
        pltpu.VMEM((NCHUNK_E, K), jnp.int32),
        pltpu.VMEM((NCHUNK_E, K), jnp.int32),
        pltpu.VMEM((K,), jnp.int32),
        pltpu.VMEM((K, 16), jnp.float32),
        pltpu.VMEM((K, D), jnp.float32),
        pltpu.SemaphoreType.DMA,
        pltpu.VMEM_SHARED((ACC_ROWS, D), jnp.float32),
    ],
)
def _sc_edge_pass(hs_hbm, src_hbm, dst_hbm, ewb_hbm, out_hbm,
                  src_v, dst_v, dstm_v, ewb_v, msg, gsem, acc_sh):
    cid = lax.axis_index("c")
    sid = lax.axis_index("s")
    base_node = cid * NH
    zero16 = jnp.zeros((16,), jnp.float32)

    def zfill(i, _):
        for j in range(D // 16):
            msg[i, pl.ds(j * 16, 16)] = zero16
        return _

    lax.fori_loop(0, K, zfill, None)
    pltpu.sync_copy(msg, acc_sh.at[pl.ds(sid * ZROWS, K)])
    pltpu.sync_copy(msg, acc_sh.at[pl.ds(sid * ZROWS + K, K)])
    pltpu.sync_copy(msg.at[pl.ds(0, ZROWS - 2 * K)],
                    acc_sh.at[pl.ds(sid * ZROWS + 2 * K, ZROWS - 2 * K)])
    plsc.subcore_barrier()

    pltpu.sync_copy(src_hbm.at[sid], src_v)
    pltpu.sync_copy(dst_hbm.at[sid], dst_v)

    def chunk(c, _):
        pltpu.async_copy(hs_hbm.at[src_v.at[c]], msg, gsem).wait()
        pltpu.sync_copy(ewb_hbm.at[sid, c], ewb_v)

        def scale(i, _):
            w = ewb_v[i, :]
            for j in range(D // 16):
                msg[i, pl.ds(j * 16, 16)] = msg[i, pl.ds(j * 16, 16)] * w
            return _

        lax.fori_loop(0, K, scale, None)
        for g in range(K // 16):
            rel = dst_v[c, pl.ds(g * 16, 16)] - base_node
            ok = jnp.logical_and(rel >= 0, rel < NH)
            dstm_v[pl.ds(g * 16, 16)] = jnp.where(ok, rel, NH)
        pltpu.sync_copy(msg, acc_sh.at[dstm_v], add=True)
        return _

    lax.fori_loop(0, NCHUNK_E, chunk, None)
    plsc.subcore_barrier()
    pltpu.sync_copy(
        acc_sh.at[pl.ds(sid * CROWS, CROWS)],
        out_hbm.at[pl.ds(base_node + sid * CROWS, CROWS)],
    )



def _tc1_body(x_ref, w1_ref, d0_ref, d1_ref, h1_ref, hs_ref, dinv_ref):
    deg = d0_ref[...] + d1_ref[...] + 1.0
    dinv = lax.rsqrt(deg)
    h = jnp.dot(x_ref[...], w1_ref[...], preferred_element_type=jnp.float32)
    h1_ref[...] = h
    hs_ref[...] = h * dinv[:, None]
    dinv_ref[...] = dinv


def _tc2_body(a_ref, h1_ref, dinv_ref, b1_ref, w2_ref, h2_ref, hs_ref):
    dinv = dinv_ref[...]
    z = a_ref[...] * dinv[:, None]
    z = z + h1_ref[...] * (dinv * dinv)[:, None] + b1_ref[...][None, :]
    z = jnp.maximum(z, 0.0)
    h2 = jnp.dot(z, w2_ref[...], preferred_element_type=jnp.float32)
    h2_ref[...] = h2
    hs_ref[...] = h2 * dinv[:, None]


def _tc3_body(a_ref, h2_ref, dinv_ref, b2_ref, batch_ref,
              wf1_ref, bf1_ref, wf2_ref, bf2_ref, out_ref,
              sums_ref, cnts_ref):
    i = pl.program_id(0)

    @pl.when(i == 0)
    def _():
        sums_ref[...] = jnp.zeros_like(sums_ref)
        cnts_ref[...] = jnp.zeros_like(cnts_ref)

    dinv = dinv_ref[...]
    z = a_ref[...] * dinv[:, None]
    z = z + h2_ref[...] * (dinv * dinv)[:, None] + b2_ref[...][None, :]
    z = jnp.maximum(z, 0.0)
    gid = lax.broadcasted_iota(jnp.int32, (G, RB), 0)
    onehot = (batch_ref[...][None, :] == gid).astype(jnp.float32)
    sums_ref[...] += jnp.dot(onehot, z, preferred_element_type=jnp.float32)
    cnts_ref[...] += jnp.dot(onehot, jnp.ones((RB, D), jnp.float32),
                             preferred_element_type=jnp.float32)

    @pl.when(i == NBLK - 1)
    def _():
        pooled = sums_ref[...] / jnp.maximum(cnts_ref[...], 1.0)
        g = jnp.maximum(
            jnp.dot(pooled, wf1_ref[...], preferred_element_type=jnp.float32)
            + bf1_ref[...][None, :], 0.0)
        out_ref[...] = (
            jnp.dot(g, wf2_ref[...], preferred_element_type=jnp.float32)
            + bf2_ref[...][None, :])


_row_spec = pl.BlockSpec((RB, D), lambda i: (i, 0))
_vec_spec = pl.BlockSpec((RB,), lambda i: (i,))
_mat_spec = pl.BlockSpec((D, D), lambda i: (0, 0))
_bias_spec = pl.BlockSpec((D,), lambda i: (0,))

_full_shape = jax.ShapeDtypeStruct((NPAD, D), jnp.float32)

_tc1 = pl.pallas_call(
    _tc1_body,
    grid=(NBLK,),
    in_specs=[_row_spec, _mat_spec, _vec_spec, _vec_spec],
    out_specs=[_row_spec, _row_spec, _vec_spec],
    out_shape=[
        _full_shape, _full_shape,
        jax.ShapeDtypeStruct((NPAD,), jnp.float32),
    ],
)

_tc2 = pl.pallas_call(
    _tc2_body,
    grid=(NBLK,),
    in_specs=[_row_spec, _row_spec, _vec_spec, _bias_spec, _mat_spec],
    out_specs=[_row_spec, _row_spec],
    out_shape=[_full_shape, _full_shape],
)

_tc3 = pl.pallas_call(
    _tc3_body,
    grid=(NBLK,),
    in_specs=[_row_spec, _row_spec, _vec_spec, _bias_spec,
              pl.BlockSpec((RB,), lambda i: (i,)),
              _mat_spec, _bias_spec, _mat_spec, _bias_spec],
    out_specs=pl.BlockSpec((G, D), lambda i: (0, 0)),
    out_shape=jax.ShapeDtypeStruct((G, D), jnp.float32),
    scratch_shapes=[
        pltpu.VMEM((G, D), jnp.float32),
        pltpu.VMEM((G, D), jnp.float32),
    ],
)


def kernel(x, edge_index, batch, edge_weight, W1, b1, W2, b2,
           Wf1, bf1, Wf2, bf2):
    src = edge_index[0]
    dst = edge_index[1]
    ew = edge_weight

    pad32 = EPT_PAD - EPT
    dst3 = jnp.pad(dst.reshape(NW, EPT), ((0, 0), (0, pad32)),
                   constant_values=NPAD - 1).reshape(NW, NCHUNK, K)
    ew3 = jnp.pad(ew.reshape(NW, EPT), ((0, 0), (0, pad32))
                  ).reshape(NW, NCHUNK, K)

    pad16 = EPC_PAD - EPC
    srcE = jnp.pad(src.reshape(G, EPC), ((0, 0), (0, pad16))
                   ).reshape(G, NCHUNK_E, K)
    dstE = jnp.pad(dst.reshape(G, EPC), ((0, 0), (0, pad16)),
                   constant_values=NPAD - 1).reshape(G, NCHUNK_E, K)
    ewE = jnp.pad(ew.reshape(G, EPC), ((0, 0), (0, pad16))
                  ).reshape(G, NCHUNK_E, K)
    ewb = jnp.broadcast_to(ewE[..., None], (G, NCHUNK_E, K, 16))

    xpad = jnp.pad(x, ((0, NPAD - N), (0, 0)))
    batchpad = jnp.pad(batch, (0, NPAD - N), constant_values=G)

    deg2 = _sc_degree(dst3, ew3)
    h1, hs1, dinv = _tc1(xpad, W1, deg2[0], deg2[1])

    a1 = _sc_edge_pass(hs1, srcE, dstE, ewb)
    h2, hs2 = _tc2(a1, h1, dinv, b1, W2)

    a2 = _sc_edge_pass(hs2, srcE, dstE, ewb)
    out = _tc3(a2, h2, dinv, b2, batchpad, Wf1, bf1, Wf2, bf2)
    return out

# --- scband reference (transcript-rebuilt; emitter-appended) ---
"""Pipeline reference for scband-graph-regressor-16432544874670 (READ-ONLY COPY).

The authoritative reference and input builder live on the scoring server;
editing this copy changes nothing except your own understanding.
"""

import jax, jax.numpy as jnp
import numpy as np

N_NODES = 10000
N_EDGES = 320000
D_IN = 128
D_HID = 128
N_GRAPHS = 16


def setup_inputs(seed: int = 0) -> dict:
    key = jax.random.key(seed)
    ks = jax.random.split(key, 12)
    x = jax.random.normal(ks[0], (N_NODES, D_IN), dtype=jnp.float32)
    edge_index = jax.random.randint(ks[1], (2, N_EDGES), 0, N_NODES, dtype=jnp.int64 if jax.config.jax_enable_x64 else jnp.int32).astype(jnp.int32)
    batch = jnp.sort(jax.random.randint(ks[2], (N_NODES,), 0, N_GRAPHS)).astype(jnp.int32)
    edge_weight = jax.random.uniform(ks[3], (N_EDGES,), dtype=jnp.float32)
    s1 = 1.0 / np.sqrt(D_IN)
    s2 = 1.0 / np.sqrt(D_HID)
    W1 = jax.random.uniform(ks[4], (D_IN, D_HID), jnp.float32, -s1, s1)
    b1 = jnp.zeros((D_HID,), jnp.float32)
    W2 = jax.random.uniform(ks[5], (D_HID, D_HID), jnp.float32, -s2, s2)
    b2 = jnp.zeros((D_HID,), jnp.float32)
    Wf1 = jax.random.uniform(ks[6], (D_HID, D_HID), jnp.float32, -s2, s2)
    bf1 = jax.random.uniform(ks[7], (D_HID,), jnp.float32, -s2, s2)
    Wf2 = jax.random.uniform(ks[8], (D_HID, D_HID), jnp.float32, -s2, s2)
    bf2 = jax.random.uniform(ks[9], (D_HID,), jnp.float32, -s2, s2)
    return {"x": x, "edge_index": edge_index, "batch": batch, "edge_weight": edge_weight,
            "W1": W1, "b1": b1, "W2": W2, "b2": b2, "Wf1": Wf1, "bf1": bf1, "Wf2": Wf2, "bf2": bf2}


def _gcn_layer(x, edge_index, edge_weight, W, b):
    # Faithful GCNConv: linear transform, add self loops (weight=1),
    # symmetric D^{-1/2} A D^{-1/2} normalization, scatter-add aggregation, bias.
    n = x.shape[0]
    src, dst = edge_index[0], edge_index[1]
    loop = jnp.arange(n, dtype=src.dtype)
    src2 = jnp.concatenate([src, loop])
    dst2 = jnp.concatenate([dst, loop])
    ew2 = jnp.concatenate([edge_weight, jnp.ones((n,), x.dtype)])
    deg = jnp.zeros((n,), x.dtype).at[dst2].add(ew2)
    dinv = jnp.where(deg > 0, deg ** -0.5, 0.0)
    norm = dinv[src2] * ew2 * dinv[dst2]
    h = x @ W
    msg = h[src2] * norm[:, None]
    out = jnp.zeros_like(h).at[dst2].add(msg)
    return out + b


def reference(x, edge_index, batch, edge_weight, W1, b1, W2, b2, Wf1, bf1, Wf2, bf2):
    h = _gcn_layer(x, edge_index, edge_weight, W1, b1)
    h = jax.nn.relu(h)
    h = _gcn_layer(h, edge_index, edge_weight, W2, b2)
    h = jax.nn.relu(h)
    # global_mean_pool over graphs in batch
    sums = jax.ops.segment_sum(h, batch, num_segments=N_GRAPHS)
    counts = jax.ops.segment_sum(jnp.ones((h.shape[0],), h.dtype), batch, num_segments=N_GRAPHS)
    pooled = sums / jnp.maximum(counts, 1.0)[:, None]
    # fc layers: all but last with activation, last without
    g = jax.nn.relu(pooled @ Wf1 + bf1)
    out = g @ Wf2 + bf2
    return out

if __name__ == "__main__":
    import jax
    _d = setup_inputs()
    print(jax.jit(kernel)(*tuple(_d.values())))

</pallas_src>

<mosaic_0001>
#map = affine_map<(d0, d1) -> (0, 0, 0)>
#map1 = affine_map<(d0, d1) -> (0, 0)>
module attributes {stable_mosaic.version = 14 : i64} {
  func.func @_sc_degree(%arg0: i32, %arg1: i32, %arg2: memref<32x79x128xi32, #tpu.memory_space<hbm>>, %arg3: memref<32x79x128xf32, #tpu.memory_space<hbm>>, %arg4: memref<2x10240xf32, #tpu.memory_space<hbm>>, %arg5: memref<79x128xi32, #tpu.memory_space<vmem>>, %arg6: memref<79x128xf32, #tpu.memory_space<vmem>>, %arg7: memref<640xf32, #tpu.memory_space<vmem>>, %arg8: memref<10240xf32, #tpu.memory_space<vmem_shared>>) attributes {dimension_semantics = [#tpu.dimension_semantics<core_parallel>, #tpu.dimension_semantics<subcore_parallel>], iteration_bounds = array<i64: 2, 16>, scalar_prefetch = 0 : i64, scratch_operands = 4 : i64, tpu.core_type = #tpu.core_type<sc_vector_subcore>, window_params = [{transform_indices = #map}, {transform_indices = #map}, {transform_indices = #map1}]} {
    %mul3A = arith.constant 16 : i32
    %mul3A_0 = arith.muli %arg0, %mul3A : i32
    %add3A = arith.addi %mul3A_0, %arg1 : i32
    %broadcast_in_dim3A = arith.constant 0.000000e+00 : f32
    %broadcast_in_dim3A_1 = vector.broadcast %broadcast_in_dim3A : f32 to vector<16xf32>
    %scan3A = arith.constant 0 : i32
    %scan3A_2 = arith.constant 40 : i32
    %scan3A_3 = arith.addi %scan3A, %scan3A_2 : i32
    %scan3A_4 = arith.constant 1 : i32
    scf.for %scan3A_18 = %scan3A to %scan3A_3 step %scan3A_4  : i32 {
      %mul3A_19 = arith.constant 16 : i32
      %mul3A_20 = arith.muli %scan3A_18, %mul3A_19 : i32
      %swap3A = arith.index_cast %mul3A_20 : i32 to index
      %swap3A_21 = tpu.vector_load %arg7[%swap3A] {strides = array<i32>} : memref<640xf32, #tpu.memory_space<vmem>>, vector<16xf32>,
      %swap3A_22 = vector.shape_cast %swap3A_21 : vector<16xf32> to vector<16xf32>
      %swap3A_23 = vector.shape_cast %broadcast_in_dim3A_1 : vector<16xf32> to vector<16xf32>
      tpu.vector_store %arg7[%swap3A], %swap3A_23 {strides = array<i32>} : memref<640xf32, #tpu.memory_space<vmem>>, vector<16xf32>,
    }
    %scan3A_5 = arith.constant 40 : i32
    %mul3A_6 = arith.constant 640 : i32
    %mul3A_7 = arith.muli %arg1, %mul3A_6 : i32
    "tpu.region"() ({
      %run_scoped3A = tpu.sem_alloc : memref<!tpu.dma_semaphore, #tpu.memory_space<semaphore_mem>>
      %dma_start3A = tpu.memref_slice %arg8[%mul3A_7] : memref<10240xf32, #tpu.memory_space<vmem_shared>> -> memref<640xf32, #tpu.memory_space<vmem_shared>>
      %dma_start3A_18 = tpu.memref_slice %arg8[%mul3A_7] : memref<10240xf32, #tpu.memory_space<vmem_shared>> -> memref<640xf32, #tpu.memory_space<vmem_shared>>
      tpu.enqueue_dma source(%arg7 : memref<640xf32, #tpu.memory_space<vmem>>) target(%dma_start3A_18 : memref<640xf32, #tpu.memory_space<vmem_shared>>) target_semaphore(%run_scoped3A : memref<!tpu.dma_semaphore, #tpu.memory_space<semaphore_mem>>)
      %dma_wait3A = tpu.memref_slice %arg8[%mul3A_7] : memref<10240xf32, #tpu.memory_space<vmem_shared>> -> memref<640xf32, #tpu.memory_space<vmem_shared>>
      %dma_wait3A_19 = tpu.memref_slice %arg8[%mul3A_7] : memref<10240xf32, #tpu.memory_space<vmem_shared>> -> memref<640xf32, #tpu.memory_space<vmem_shared>>
      tpu.wait_dma2 semaphore(%run_scoped3A : memref<!tpu.dma_semaphore, #tpu.memory_space<semaphore_mem>>) src(%arg7 : memref<640xf32, #tpu.memory_space<vmem>>) dst(%dma_wait3A_19 : memref<640xf32, #tpu.memory_space<vmem_shared>>)
      tpu.yield
    }) : () -> ()
    %barrier3A = arith.constant 0 : index
    tpu.barrier barrier_id(%barrier3A)
    "tpu.region"() ({
      %run_scoped3A = tpu.sem_alloc : memref<!tpu.dma_semaphore, #tpu.memory_space<semaphore_mem>>
      %dma_start3A = arith.constant 0 : i32
      %dma_start3A_18 = arith.constant 0 : i32
      %dma_start3A_19 = tpu.memref_slice %arg2[%add3A, %dma_start3A, %dma_start3A_18] : memref<32x79x128xi32, #tpu.memory_space<hbm>> -> memref<1x79x128xi32, #tpu.memory_space<hbm>>
      %dma_start3A_20 = tpu.memref_squeeze %dma_start3A_19 : memref<1x79x128xi32, #tpu.memory_space<hbm>> -> memref<79x128xi32, #tpu.memory_space<hbm>>
      %dma_start3A_21 = arith.constant 0 : i32
      %dma_start3A_22 = arith.constant 0 : i32
      %dma_start3A_23 = tpu.memref_slice %arg2[%add3A, %dma_start3A_21, %dma_start3A_22] : memref<32x79x128xi32, #tpu.memory_space<hbm>> -> memref<1x79x128xi32, #tpu.memory_space<hbm>>
      %dma_start3A_24 = tpu.memref_squeeze %dma_start3A_23 : memref<1x79x128xi32, #tpu.memory_space<hbm>> -> memref<79x128xi32, #tpu.memory_space<hbm>>
      tpu.enqueue_dma source(%dma_start3A_24 : memref<79x128xi32, #tpu.memory_space<hbm>>) target(%arg5 : memref<79x128xi32, #tpu.memory_space<vmem>>) target_semaphore(%run_scoped3A : memref<!tpu.dma_semaphore, #tpu.memory_space<semaphore_mem>>)
      %dma_wait3A = arith.constant 0 : i32
      %dma_wait3A_25 = arith.constant 0 : i32
      %dma_wait3A_26 = tpu.memref_slice %arg2[%add3A, %dma_wait3A, %dma_wait3A_25] : memref<32x79x128xi32, #tpu.memory_space<hbm>> -> memref<1x79x128xi32, #tpu.memory_space<hbm>>
      %dma_wait3A_27 = tpu.memref_squeeze %dma_wait3A_26 : memref<1x79x128xi32, #tpu.memory_space<hbm>> -> memref<79x128xi32, #tpu.memory_space<hbm>>
      %dma_wait3A_28 = arith.constant 0 : i32
      %dma_wait3A_29 = arith.constant 0 : i32
      %dma_wait3A_30 = tpu.memref_slice %arg2[%add3A, %dma_wait3A_28, %dma_wait3A_29] : memref<32x79x128xi32, #tpu.memory_space<hbm>> -> memref<1x79x128xi32, #tpu.memory_space<hbm>>
      %dma_wait3A_31 = tpu.memref_squeeze %dma_wait3A_30 : memref<1x79x128xi32, #tpu.memory_space<hbm>> -> memref<79x128xi32, #tpu.memory_space<hbm>>
      tpu.wait_dma2 semaphore(%run_scoped3A : memref<!tpu.dma_semaphore, #tpu.memory_space<semaphore_mem>>) src(%dma_wait3A_31 : memref<79x128xi32, #tpu.memory_space<hbm>>) dst(%arg5 : memref<79x128xi32, #tpu.memory_space<vmem>>)
      tpu.yield
    }) : () -> ()
    "tpu.region"() ({
      %run_scoped3A = tpu.sem_alloc : memref<!tpu.dma_semaphore, #tpu.memory_space<semaphore_mem>>
      %dma_start3A = arith.constant 0 : i32
      %dma_start3A_18 = arith.constant 0 : i32
      %dma_start3A_19 = tpu.memref_slice %arg3[%add3A, %dma_start3A, %dma_start3A_18] : memref<32x79x128xf32, #tpu.memory_space<hbm>> -> memref<1x79x128xf32, #tpu.memory_space<hbm>>
      %dma_start3A_20 = tpu.memref_squeeze %dma_start3A_19 : memref<1x79x128xf32, #tpu.memory_space<hbm>> -> memref<79x128xf32, #tpu.memory_space<hbm>>
      %dma_start3A_21 = arith.constant 0 : i32
      %dma_start3A_22 = arith.constant 0 : i32
      %dma_start3A_23 = tpu.memref_slice %arg3[%add3A, %dma_start3A_21, %dma_start3A_22] : memref<32x79x128xf32, #tpu.memory_space<hbm>> -> memref<1x79x128xf32, #tpu.memory_space<hbm>>
      %dma_start3A_24 = tpu.memref_squeeze %dma_start3A_23 : memref<1x79x128xf32, #tpu.memory_space<hbm>> -> memref<79x128xf32, #tpu.memory_space<hbm>>
      tpu.enqueue_dma source(%dma_start3A_24 : memref<79x128xf32, #tpu.memory_space<hbm>>) target(%arg6 : memref<79x128xf32, #tpu.memory_space<vmem>>) target_semaphore(%run_scoped3A : memref<!tpu.dma_semaphore, #tpu.memory_space<semaphore_mem>>)
      %dma_wait3A = arith.constant 0 : i32
      %dma_wait3A_25 = arith.constant 0 : i32
      %dma_wait3A_26 = tpu.memref_slice %arg3[%add3A, %dma_wait3A, %dma_wait3A_25] : memref<32x79x128xf32, #tpu.memory_space<hbm>> -> memref<1x79x128xf32, #tpu.memory_space<hbm>>
      %dma_wait3A_27 = tpu.memref_squeeze %dma_wait3A_26 : memref<1x79x128xf32, #tpu.memory_space<hbm>> -> memref<79x128xf32, #tpu.memory_space<hbm>>
      %dma_wait3A_28 = arith.constant 0 : i32
      %dma_wait3A_29 = arith.constant 0 : i32
      %dma_wait3A_30 = tpu.memref_slice %arg3[%add3A, %dma_wait3A_28, %dma_wait3A_29] : memref<32x79x128xf32, #tpu.memory_space<hbm>> -> memref<1x79x128xf32, #tpu.memory_space<hbm>>
      %dma_wait3A_31 = tpu.memref_squeeze %dma_wait3A_30 : memref<1x79x128xf32, #tpu.memory_space<hbm>> -> memref<79x128xf32, #tpu.memory_space<hbm>>
      tpu.wait_dma2 semaphore(%run_scoped3A : memref<!tpu.dma_semaphore, #tpu.memory_space<semaphore_mem>>) src(%dma_wait3A_31 : memref<79x128xf32, #tpu.memory_space<hbm>>) dst(%arg6 : memref<79x128xf32, #tpu.memory_space<vmem>>)
      tpu.yield
    }) : () -> ()
    %scan3A_8 = arith.constant 0 : i32
    %scan3A_9 = arith.constant 79 : i32
    %scan3A_10 = arith.addi %scan3A_8, %scan3A_9 : i32
    %scan3A_11 = arith.constant 1 : i32
    scf.for %scan3A_18 = %scan3A_8 to %scan3A_10 step %scan3A_11  : i32 {
      "tpu.region"() ({
        %run_scoped3A = tpu.sem_alloc : memref<!tpu.dma_semaphore, #tpu.memory_space<semaphore_mem>>
        %dma_start3A = arith.constant 0 : i32
        %dma_start3A_19 = tpu.memref_slice %arg6[%scan3A_18, %dma_start3A] : memref<79x128xf32, #tpu.memory_space<vmem>> -> memref<1x128xf32, #tpu.memory_space<vmem>>
        %dma_start3A_20 = tpu.memref_squeeze %dma_start3A_19 : memref<1x128xf32, #tpu.memory_space<vmem>> -> memref<128xf32, #tpu.memory_space<vmem>>
        %dma_start3A_21 = arith.constant 0 : i32
        %dma_start3A_22 = tpu.memref_slice %arg5[%scan3A_18, %dma_start3A_21] : memref<79x128xi32, #tpu.memory_space<vmem>> -> memref<1x128xi32, #tpu.memory_space<vmem>>
        %dma_start3A_23 = tpu.memref_squeeze %dma_start3A_22 : memref<1x128xi32, #tpu.memory_space<vmem>> -> memref<128xi32, #tpu.memory_space<vmem>>
        %dma_start3A_24 = arith.constant 0 : i32
        %dma_start3A_25 = tpu.memref_slice %arg8[%dma_start3A_24] : memref<10240xf32, #tpu.memory_space<vmem_shared>> -> memref<10240xf32, #tpu.memory_space<vmem_shared>>
        tpu.enqueue_indirect_dma source(%dma_start3A_20 : memref<128xf32, #tpu.memory_space<vmem>>) target(%dma_start3A_25 : memref<10240xf32, #tpu.memory_space<vmem_shared>>) offsets(%dma_start3A_23 : memref<128xi32, #tpu.memory_space<vmem>>) semaphore(%run_scoped3A : memref<!tpu.dma_semaphore, #tpu.memory_space<semaphore_mem>>) {add = true}
        %dma_wait3A = arith.constant 0 : i32
        %dma_wait3A_26 = tpu.memref_slice %arg6[%scan3A_18, %dma_wait3A] : memref<79x128xf32, #tpu.memory_space<vmem>> -> memref<1x128xf32, #tpu.memory_space<vmem>>
        %dma_wait3A_27 = tpu.memref_squeeze %dma_wait3A_26 : memref<1x128xf32, #tpu.memory_space<vmem>> -> memref<128xf32, #tpu.memory_space<vmem>>
        %dma_wait3A_28 = arith.constant 0 : i32
        %dma_wait3A_29 = tpu.memref_slice %arg5[%scan3A_18, %dma_wait3A_28] : memref<79x128xi32, #tpu.memory_space<vmem>> -> memref<1x128xi32, #tpu.memory_space<vmem>>
        %dma_wait3A_30 = tpu.memref_squeeze %dma_wait3A_29 : memref<1x128xi32, #tpu.memory_space<vmem>> -> memref<128xi32, #tpu.memory_space<vmem>>
        %dma_wait3A_31 = arith.constant 0 : i32
        %dma_wait3A_32 = tpu.memref_slice %arg8[%dma_wait3A_31] : memref<10240xf32, #tpu.memory_space<vmem_shared>> -> memref<10240xf32, #tpu.memory_space<vmem_shared>>
        tpu.wait_indirect_dma semaphore(%run_scoped3A : memref<!tpu.dma_semaphore, #tpu.memory_space<semaphore_mem>>) src(%dma_wait3A_27 : memref<128xf32, #tpu.memory_space<vmem>>) dst(%dma_wait3A_32 : memref<10240xf32, #tpu.memory_space<vmem_shared>>)
        tpu.yield
      }) : () -> ()
    }
    %scan3A_12 = arith.constant 79 : i32
    %barrier3A_13 = arith.constant 0 : index
    tpu.barrier barrier_id(%barrier3A_13)
    %mul3A_14 = arith.constant 640 : i32
    %mul3A_15 = arith.muli %arg1, %mul3A_14 : i32
    %mul3A_16 = arith.constant 640 : i32
    %mul3A_17 = arith.muli %arg1, %mul3A_16 : i32
    "tpu.region"() ({
      %run_scoped3A = tpu.sem_alloc : memref<!tpu.dma_semaphore, #tpu.memory_space<semaphore_mem>>
      %dma_start3A = tpu.memref_slice %arg4[%arg0, %mul3A_17] : memref<2x10240xf32, #tpu.memory_space<hbm>> -> memref<1x640xf32, #tpu.memory_space<hbm>>
      %dma_start3A_18 = tpu.memref_squeeze %dma_start3A : memref<1x640xf32, #tpu.memory_space<hbm>> -> memref<640xf32, #tpu.memory_space<hbm>>
      %dma_start3A_19 = tpu.memref_slice %arg8[%mul3A_15] : memref<10240xf32, #tpu.memory_space<vmem_shared>> -> memref<640xf32, #tpu.memory_space<vmem_shared>>
      tpu.enqueue_dma source(%dma_start3A_19 : memref<640xf32, #tpu.memory_space<vmem_shared>>) target(%dma_start3A_18 : memref<640xf32, #tpu.memory_space<hbm>>) target_semaphore(%run_scoped3A : memref<!tpu.dma_semaphore, #tpu.memory_space<semaphore_mem>>)
      %dma_wait3A = tpu.memref_slice %arg4[%arg0, %mul3A_17] : memref<2x10240xf32, #tpu.memory_space<hbm>> -> memref<1x640xf32, #tpu.memory_space<hbm>>
      %dma_wait3A_20 = tpu.memref_squeeze %dma_wait3A : memref<1x640xf32, #tpu.memory_space<hbm>> -> memref<640xf32, #tpu.memory_space<hbm>>
      %dma_wait3A_21 = tpu.memref_slice %arg8[%mul3A_15] : memref<10240xf32, #tpu.memory_space<vmem_shared>> -> memref<640xf32, #tpu.memory_space<vmem_shared>>
      tpu.wait_dma2 semaphore(%run_scoped3A : memref<!tpu.dma_semaphore, #tpu.memory_space<semaphore_mem>>) src(%dma_wait3A_21 : memref<640xf32, #tpu.memory_space<vmem_shared>>) dst(%dma_wait3A_20 : memref<640xf32, #tpu.memory_space<hbm>>)
      tpu.yield
    }) : () -> ()
    return
  }
}

#map = affine_map<(d0, d1) -> (0, 0)>
#map1 = affine_map<(d0, d1) -> (0, 0, 0)>
#map2 = affine_map<(d0, d1) -> (0, 0, 0, 0)>
module attributes {stable_mosaic.version = 14 : i64} {
  func.func @_sc_edge_pass(%arg0: i32, %arg1: i32, %arg2: memref<10240x128xf32, #tpu.memory_space<hbm>>, %arg3: memref<16x157x128xi32, #tpu.memory_space<hbm>>, %arg4: memref<16x157x128xi32, #tpu.memory_space<hbm>>, %arg5: memref<16x157x128x16xf32, #tpu.memory_space<hbm>>, %arg6: memref<10240x128xf32, #tpu.memory_space<hbm>>, %arg7: memref<157x128xi32, #tpu.memory_space<vmem>>, %arg8: memref<157x128xi32, #tpu.memory_space<vmem>>, %arg9: memref<128xi32, #tpu.memory_space<vmem>>, %arg10: memref<128x16xf32, #tpu.memory_space<vmem>>, %arg11: memref<128x128xf32, #tpu.memory_space<vmem>>, %arg12: memref<!tpu.dma_semaphore, #tpu.memory_space<semaphore_mem>>, %arg13: memref<5136x128xf32, #tpu.memory_space<vmem_shared>>) attributes {dimension_semantics = [#tpu.dimension_semantics<core_parallel>, #tpu.dimension_semantics<subcore_parallel>], iteration_bounds = array<i64: 2, 16>, scalar_prefetch = 0 : i64, scratch_operands = 7 : i64, tpu.core_type = #tpu.core_type<sc_vector_subcore>, window_params = [{transform_indices = #map}, {transform_indices = #map1}, {transform_indices = #map1}, {transform_indices = #map2}, {transform_indices = #map}]} {
    %mul3A = arith.constant 5120 : i32
    %mul3A_0 = arith.muli %arg0, %mul3A : i32
    %broadcast_in_dim3A = arith.constant 0.000000e+00 : f32
    %broadcast_in_dim3A_1 = vector.broadcast %broadcast_in_dim3A : f32 to vector<16xf32>
    %scan3A = arith.constant 0 : i32
    %scan3A_2 = arith.constant 128 : i32
    %scan3A_3 = arith.addi %scan3A, %scan3A_2 : i32
    %scan3A_4 = arith.constant 1 : i32
    scf.for %scan3A_26 = %scan3A to %scan3A_3 step %scan3A_4  : i32 {
      %swap3A = arith.index_cast %scan3A_26 : i32 to index
      %swap3A_27 = arith.constant 0 : index
      %swap3A_28 = tpu.vector_load %arg11[%swap3A, %swap3A_27] {strides = array<i32>} : memref<128x128xf32, #tpu.memory_space<vmem>>, vector<1x16xf32>,
      %swap3A_29 = vector.shape_cast %swap3A_28 : vector<1x16xf32> to vector<16xf32>
      %swap3A_30 = vector.shape_cast %broadcast_in_dim3A_1 : vector<16xf32> to vector<1x16xf32>
      tpu.vector_store %arg11[%swap3A, %swap3A_27], %swap3A_30 {strides = array<i32>} : memref<128x128xf32, #tpu.memory_space<vmem>>, vector<1x16xf32>,
      %swap3A_31 = arith.index_cast %scan3A_26 : i32 to index
      %swap3A_32 = arith.constant 16 : index
      %swap3A_33 = tpu.vector_load %arg11[%swap3A_31, %swap3A_32] {strides = array<i32>} : memref<128x128xf32, #tpu.memory_space<vmem>>, vector<1x16xf32>,
      %swap3A_34 = vector.shape_cast %swap3A_33 : vector<1x16xf32> to vector<16xf32>
      %swap3A_35 = vector.shape_cast %broadcast_in_dim3A_1 : vector<16xf32> to vector<1x16xf32>
      tpu.vector_store %arg11[%swap3A_31, %swap3A_32], %swap3A_35 {strides = array<i32>} : memref<128x128xf32, #tpu.memory_space<vmem>>, vector<1x16xf32>,
      %swap3A_36 = arith.index_cast %scan3A_26 : i32 to index
      %swap3A_37 = arith.constant 32 : index
      %swap3A_38 = tpu.vector_load %arg11[%swap3A_36, %swap3A_37] {strides = array<i32>} : memref<128x128xf32, #tpu.memory_space<vmem>>, vector<1x16xf32>,
      %swap3A_39 = vector.shape_cast %swap3A_38 : vector<1x16xf32> to vector<16xf32>
      %swap3A_40 = vector.shape_cast %broadcast_in_dim3A_1 : vector<16xf32> to vector<1x16xf32>
      tpu.vector_store %arg11[%swap3A_36, %swap3A_37], %swap3A_40 {strides = array<i32>} : memref<128x128xf32, #tpu.memory_space<vmem>>, vector<1x16xf32>,
      %swap3A_41 = arith.index_cast %scan3A_26 : i32 to index
      %swap3A_42 = arith.constant 48 : index
      %swap3A_43 = tpu.vector_load %arg11[%swap3A_41, %swap3A_42] {strides = array<i32>} : memref<128x128xf32, #tpu.memory_space<vmem>>, vector<1x16xf32>,
      %swap3A_44 = vector.shape_cast %swap3A_43 : vector<1x16xf32> to vector<16xf32>
      %swap3A_45 = vector.shape_cast %broadcast_in_dim3A_1 : vector<16xf32> to vector<1x16xf32>
      tpu.vector_store %arg11[%swap3A_41, %swap3A_42], %swap3A_45 {strides = array<i32>} : memref<128x128xf32, #tpu.memory_space<vmem>>, vector<1x16xf32>,
      %swap3A_46 = arith.index_cast %scan3A_26 : i32 to index
      %swap3A_47 = arith.constant 64 : index
      %swap3A_48 = tpu.vector_load %arg11[%swap3A_46, %swap3A_47] {strides = array<i32>} : memref<128x128xf32, #tpu.memory_space<vmem>>, vector<1x16xf32>,
      %swap3A_49 = vector.shape_cast %swap3A_48 : vector<1x16xf32> to vector<16xf32>
      %swap3A_50 = vector.shape_cast %broadcast_in_dim3A_1 : vector<16xf32> to vector<1x16xf32>
      tpu.vector_store %arg11[%swap3A_46, %swap3A_47], %swap3A_50 {strides = array<i32>} : memref<128x128xf32, #tpu.memory_space<vmem>>, vector<1x16xf32>,
      %swap3A_51 = arith.index_cast %scan3A_26 : i32 to index
      %swap3A_52 = arith.constant 80 : index
      %swap3A_53 = tpu.vector_load %arg11[%swap3A_51, %swap3A_52] {strides = array<i32>} : memref<128x128xf32, #tpu.memory_space<vmem>>, vector<1x16xf32>,
      %swap3A_54 = vector.shape_cast %swap3A_53 : vector<1x16xf32> to vector<16xf32>
      %swap3A_55 = vector.shape_cast %broadcast_in_dim3A_1 : vector<16xf32> to vector<1x16xf32>
      tpu.vector_store %arg11[%swap3A_51, %swap3A_52], %swap3A_55 {strides = array<i32>} : memref<128x128xf32, #tpu.memory_space<vmem>>, vector<1x16xf32>,
      %swap3A_56 = arith.index_cast %scan3A_26 : i32 to index
      %swap3A_57 = arith.constant 96 : index
      %swap3A_58 = tpu.vector_load %arg11[%swap3A_56, %swap3A_57] {strides = array<i32>} : memref<128x128xf32, #tpu.memory_space<vmem>>, vector<1x16xf32>,
      %swap3A_59 = vector.shape_cast %swap3A_58 : vector<1x16xf32> to vector<16xf32>
      %swap3A_60 = vector.shape_cast %broadcast_in_dim3A_1 : vector<16xf32> to vector<1x16xf32>
      tpu.vector_store %arg11[%swap3A_56, %swap3A_57], %swap3A_60 {strides = array<i32>} : memref<128x128xf32, #tpu.memory_space<vmem>>, vector<1x16xf32>,
      %swap3A_61 = arith.index_cast %scan3A_26 : i32 to index
      %swap3A_62 = arith.constant 112 : index
      %swap3A_63 = tpu.vector_load %arg11[%swap3A_61, %swap3A_62] {strides = array<i32>} : memref<128x128xf32, #tpu.memory_space<vmem>>, vector<1x16xf32>,
      %swap3A_64 = vector.shape_cast %swap3A_63 : vector<1x16xf32> to vector<16xf32>
      %swap3A_65 = vector.shape_cast %broadcast_in_dim3A_1 : vector<16xf32> to vector<1x16xf32>
      tpu.vector_store %arg11[%swap3A_61, %swap3A_62], %swap3A_65 {strides = array<i32>} : memref<128x128xf32, #tpu.memory_space<vmem>>, vector<1x16xf32>,
    }
    %scan3A_5 = arith.constant 128 : i32
    %mul3A_6 = arith.constant 321 : i32
    %mul3A_7 = arith.muli %arg1, %mul3A_6 : i32
    "tpu.region"() ({
      %run_scoped3A = tpu.sem_alloc : memref<!tpu.dma_semaphore, #tpu.memory_space<semaphore_mem>>
      %dma_start3A = arith.constant 0 : i32
      %dma_start3A_26 = tpu.memref_slice %arg13[%mul3A_7, %dma_start3A] : memref<5136x128xf32, #tpu.memory_space<vmem_shared>> -> memref<128x128xf32, #tpu.memory_space<vmem_shared>>
      %dma_start3A_27 = arith.constant 0 : i32
      %dma_start3A_28 = tpu.memref_slice %arg13[%mul3A_7, %dma_start3A_27] : memref<5136x128xf32, #tpu.memory_space<vmem_shared>> -> memref<128x128xf32, #tpu.memory_space<vmem_shared>>
      tpu.enqueue_dma source(%arg11 : memref<128x128xf32, #tpu.memory_space<vmem>>) target(%dma_start3A_28 : memref<128x128xf32, #tpu.memory_space<vmem_shared>>) target_semaphore(%run_scoped3A : memref<!tpu.dma_semaphore, #tpu.memory_space<semaphore_mem>>)
      %dma_wait3A = arith.constant 0 : i32
      %dma_wait3A_29 = tpu.memref_slice %arg13[%mul3A_7, %dma_wait3A] : memref<5136x128xf32, #tpu.memory_space<vmem_shared>> -> memref<128x128xf32, #tpu.memory_space<vmem_shared>>
      %dma_wait3A_30 = arith.constant 0 : i32
      %dma_wait3A_31 = tpu.memref_slice %arg13[%mul3A_7, %dma_wait3A_30] : memref<5136x128xf32, #tpu.memory_space<vmem_shared>> -> memref<128x128xf32, #tpu.memory_space<vmem_shared>>
      tpu.wait_dma2 semaphore(%run_scoped3A : memref<!tpu.dma_semaphore, #tpu.memory_space<semaphore_mem>>) src(%arg11 : memref<128x128xf32, #tpu.memory_space<vmem>>) dst(%dma_wait3A_31 : memref<128x128xf32, #tpu.memory_space<vmem_shared>>)
      tpu.yield
    }) : () -> ()
    %mul3A_8 = arith.constant 321 : i32
    %mul3A_9 = arith.muli %arg1, %mul3A_8 : i32
    %add3A = arith.constant 128 : i32
    %add3A_10 = arith.addi %mul3A_9, %add3A : i32
    "tpu.region"() ({
      %run_scoped3A = tpu.sem_alloc : memref<!tpu.dma_semaphore, #tpu.memory_space<semaphore_mem>>
      %dma_start3A = arith.constant 0 : i32
      %dma_start3A_26 = tpu.memref_slice %arg13[%add3A_10, %dma_start3A] : memref<5136x128xf32, #tpu.memory_space<vmem_shared>> -> memref<128x128xf32, #tpu.memory_space<vmem_shared>>
      %dma_start3A_27 = arith.constant 0 : i32
      %dma_start3A_28 = tpu.memref_slice %arg13[%add3A_10, %dma_start3A_27] : memref<5136x128xf32, #tpu.memory_space<vmem_shared>> -> memref<128x128xf32, #tpu.memory_space<vmem_shared>>
      tpu.enqueue_dma source(%arg11 : memref<128x128xf32, #tpu.memory_space<vmem>>) target(%dma_start3A_28 : memref<128x128xf32, #tpu.memory_space<vmem_shared>>) target_semaphore(%run_scoped3A : memref<!tpu.dma_semaphore, #tpu.memory_space<semaphore_mem>>)
      %dma_wait3A = arith.constant 0 : i32
      %dma_wait3A_29 = tpu.memref_slice %arg13[%add3A_10, %dma_wait3A] : memref<5136x128xf32, #tpu.memory_space<vmem_shared>> -> memref<128x128xf32, #tpu.memory_space<vmem_shared>>
      %dma_wait3A_30 = arith.constant 0 : i32
      %dma_wait3A_31 = tpu.memref_slice %arg13[%add3A_10, %dma_wait3A_30] : memref<5136x128xf32, #tpu.memory_space<vmem_shared>> -> memref<128x128xf32, #tpu.memory_space<vmem_shared>>
      tpu.wait_dma2 semaphore(%run_scoped3A : memref<!tpu.dma_semaphore, #tpu.memory_space<semaphore_mem>>) src(%arg11 : memref<128x128xf32, #tpu.memory_space<vmem>>) dst(%dma_wait3A_31 : memref<128x128xf32, #tpu.memory_space<vmem_shared>>)
      tpu.yield
    }) : () -> ()
    %mul3A_11 = arith.constant 321 : i32
    %mul3A_12 = arith.muli %arg1, %mul3A_11 : i32
    %add3A_13 = arith.constant 256 : i32
    %add3A_14 = arith.addi %mul3A_12, %add3A_13 : i32
    "tpu.region"() ({
      %run_scoped3A = tpu.sem_alloc : memref<!tpu.dma_semaphore, #tpu.memory_space<semaphore_mem>>
      %dma_start3A = arith.constant 0 : i32
      %dma_start3A_26 = arith.constant 0 : i32
      %dma_start3A_27 = tpu.memref_slice %arg11[%dma_start3A, %dma_start3A_26] : memref<128x128xf32, #tpu.memory_space<vmem>> -> memref<65x128xf32, #tpu.memory_space<vmem>>
      %dma_start3A_28 = arith.constant 0 : i32
      %dma_start3A_29 = tpu.memref_slice %arg13[%add3A_14, %dma_start3A_28] : memref<5136x128xf32, #tpu.memory_space<vmem_shared>> -> memref<65x128xf32, #tpu.memory_space<vmem_shared>>
      %dma_start3A_30 = arith.constant 0 : i32
      %dma_start3A_31 = tpu.memref_slice %arg13[%add3A_14, %dma_start3A_30] : memref<5136x128xf32, #tpu.memory_space<vmem_shared>> -> memref<65x128xf32, #tpu.memory_space<vmem_shared>>
      %dma_start3A_32 = arith.constant 0 : i32
      %dma_start3A_33 = arith.constant 0 : i32
      %dma_start3A_34 = tpu.memref_slice %arg11[%dma_start3A_32, %dma_start3A_33] : memref<128x128xf32, #tpu.memory_space<vmem>> -> memref<65x128xf32, #tpu.memory_space<vmem>>
      tpu.enqueue_dma source(%dma_start3A_34 : memref<65x128xf32, #tpu.memory_space<vmem>>) target(%dma_start3A_31 : memref<65x128xf32, #tpu.memory_space<vmem_shared>>) target_semaphore(%run_scoped3A : memref<!tpu.dma_semaphore, #tpu.memory_space<semaphore_mem>>)
      %dma_wait3A = arith.constant 0 : i32
      %dma_wait3A_35 = arith.constant 0 : i32
      %dma_wait3A_36 = tpu.memref_slice %arg11[%dma_wait3A, %dma_wait3A_35] : memref<128x128xf32, #tpu.memory_space<vmem>> -> memref<65x128xf32, #tpu.memory_space<vmem>>
      %dma_wait3A_37 = arith.constant 0 : i32
      %dma_wait3A_38 = tpu.memref_slice %arg13[%add3A_14, %dma_wait3A_37] : memref<5136x128xf32, #tpu.memory_space<vmem_shared>> -> memref<65x128xf32, #tpu.memory_space<vmem_shared>>
      %dma_wait3A_39 = arith.constant 0 : i32
      %dma_wait3A_40 = tpu.memref_slice %arg13[%add3A_14, %dma_wait3A_39] : memref<5136x128xf32, #tpu.memory_space<vmem_shared>> -> memref<65x128xf32, #tpu.memory_space<vmem_shared>>
      %dma_wait3A_41 = arith.constant 0 : i32
      %dma_wait3A_42 = arith.constant 0 : i32
      %dma_wait3A_43 = tpu.memref_slice %arg11[%dma_wait3A_41, %dma_wait3A_42] : memref<128x128xf32, #tpu.memory_space<vmem>> -> memref<65x128xf32, #tpu.memory_space<vmem>>
      tpu.wait_dma2 semaphore(%run_scoped3A : memref<!tpu.dma_semaphore, #tpu.memory_space<semaphore_mem>>) src(%dma_wait3A_43 : memref<65x128xf32, #tpu.memory_space<vmem>>) dst(%dma_wait3A_40 : memref<65x128xf32, #tpu.memory_space<vmem_shared>>)
      tpu.yield
    }) : () -> ()
    %barrier3A = arith.constant 0 : index
    tpu.barrier barrier_id(%barrier3A)
    "tpu.region"() ({
      %run_scoped3A = tpu.sem_alloc : memref<!tpu.dma_semaphore, #tpu.memory_space<semaphore_mem>>
      %dma_start3A = arith.constant 0 : i32
      %dma_start3A_26 = arith.constant 0 : i32
      %dma_start3A_27 = tpu.memref_slice %arg3[%arg1, %dma_start3A, %dma_start3A_26] : memref<16x157x128xi32, #tpu.memory_space<hbm>> -> memref<1x157x128xi32, #tpu.memory_space<hbm>>
      %dma_start3A_28 = tpu.memref_squeeze %dma_start3A_27 : memref<1x157x128xi32, #tpu.memory_space<hbm>> -> memref<157x128xi32, #tpu.memory_space<hbm>>
      %dma_start3A_29 = arith.constant 0 : i32
      %dma_start3A_30 = arith.constant 0 : i32
      %dma_start3A_31 = tpu.memref_slice %arg3[%arg1, %dma_start3A_29, %dma_start3A_30] : memref<16x157x128xi32, #tpu.memory_space<hbm>> -> memref<1x157x128xi32, #tpu.memory_space<hbm>>
      %dma_start3A_32 = tpu.memref_squeeze %dma_start3A_31 : memref<1x157x128xi32, #tpu.memory_space<hbm>> -> memref<157x128xi32, #tpu.memory_space<hbm>>
      tpu.enqueue_dma source(%dma_start3A_32 : memref<157x128xi32, #tpu.memory_space<hbm>>) target(%arg7 : memref<157x128xi32, #tpu.memory_space<vmem>>) target_semaphore(%run_scoped3A : memref<!tpu.dma_semaphore, #tpu.memory_space<semaphore_mem>>)
      %dma_wait3A = arith.constant 0 : i32
      %dma_wait3A_33 = arith.constant 0 : i32
      %dma_wait3A_34 = tpu.memref_slice %arg3[%arg1, %dma_wait3A, %dma_wait3A_33] : memref<16x157x128xi32, #tpu.memory_space<hbm>> -> memref<1x157x128xi32, #tpu.memory_space<hbm>>
      %dma_wait3A_35 = tpu.memref_squeeze %dma_wait3A_34 : memref<1x157x128xi32, #tpu.memory_space<hbm>> -> memref<157x128xi32, #tpu.memory_space<hbm>>
      %dma_wait3A_36 = arith.constant 0 : i32
      %dma_wait3A_37 = arith.constant 0 : i32
      %dma_wait3A_38 = tpu.memref_slice %arg3[%arg1, %dma_wait3A_36, %dma_wait3A_37] : memref<16x157x128xi32, #tpu.memory_space<hbm>> -> memref<1x157x128xi32, #tpu.memory_space<hbm>>
      %dma_wait3A_39 = tpu.memref_squeeze %dma_wait3A_38 : memref<1x157x128xi32, #tpu.memory_space<hbm>> -> memref<157x128xi32, #tpu.memory_space<hbm>>
      tpu.wait_dma2 semaphore(%run_scoped3A : memref<!tpu.dma_semaphore, #tpu.memory_space<semaphore_mem>>) src(%dma_wait3A_39 : memref<157x128xi32, #tpu.memory_space<hbm>>) dst(%arg7 : memref<157x128xi32, #tpu.memory_space<vmem>>)
      tpu.yield
    }) : () -> ()
    "tpu.region"() ({
      %run_scoped3A = tpu.sem_alloc : memref<!tpu.dma_semaphore, #tpu.memory_space<semaphore_mem>>
      %dma_start3A = arith.constant 0 : i32
      %dma_start3A_26 = arith.constant 0 : i32
      %dma_start3A_27 = tpu.memref_slice %arg4[%arg1, %dma_start3A, %dma_start3A_26] : memref<16x157x128xi32, #tpu.memory_space<hbm>> -> memref<1x157x128xi32, #tpu.memory_space<hbm>>
      %dma_start3A_28 = tpu.memref_squeeze %dma_start3A_27 : memref<1x157x128xi32, #tpu.memory_space<hbm>> -> memref<157x128xi32, #tpu.memory_space<hbm>>
      %dma_start3A_29 = arith.constant 0 : i32
      %dma_start3A_30 = arith.constant 0 : i32
      %dma_start3A_31 = tpu.memref_slice %arg4[%arg1, %dma_start3A_29, %dma_start3A_30] : memref<16x157x128xi32, #tpu.memory_space<hbm>> -> memref<1x157x128xi32, #tpu.memory_space<hbm>>
      %dma_start3A_32 = tpu.memref_squeeze %dma_start3A_31 : memref<1x157x128xi32, #tpu.memory_space<hbm>> -> memref<157x128xi32, #tpu.memory_space<hbm>>
      tpu.enqueue_dma source(%dma_start3A_32 : memref<157x128xi32, #tpu.memory_space<hbm>>) target(%arg8 : memref<157x128xi32, #tpu.memory_space<vmem>>) target_semaphore(%run_scoped3A : memref<!tpu.dma_semaphore, #tpu.memory_space<semaphore_mem>>)
      %dma_wait3A = arith.constant 0 : i32
      %dma_wait3A_33 = arith.constant 0 : i32
      %dma_wait3A_34 = tpu.memref_slice %arg4[%arg1, %dma_wait3A, %dma_wait3A_33] : memref<16x157x128xi32, #tpu.memory_space<hbm>> -> memref<1x157x128xi32, #tpu.memory_space<hbm>>
      %dma_wait3A_35 = tpu.memref_squeeze %dma_wait3A_34 : memref<1x157x128xi32, #tpu.memory_space<hbm>> -> memref<157x128xi32, #tpu.memory_space<hbm>>
      %dma_wait3A_36 = arith.constant 0 : i32
      %dma_wait3A_37 = arith.constant 0 : i32
      %dma_wait3A_38 = tpu.memref_slice %arg4[%arg1, %dma_wait3A_36, %dma_wait3A_37] : memref<16x157x128xi32, #tpu.memory_space<hbm>> -> memref<1x157x128xi32, #tpu.memory_space<hbm>>
      %dma_wait3A_39 = tpu.memref_squeeze %dma_wait3A_38 : memref<1x157x128xi32, #tpu.memory_space<hbm>> -> memref<157x128xi32, #tpu.memory_space<hbm>>
      tpu.wait_dma2 semaphore(%run_scoped3A : memref<!tpu.dma_semaphore, #tpu.memory_space<semaphore_mem>>) src(%dma_wait3A_39 : memref<157x128xi32, #tpu.memory_space<hbm>>) dst(%arg8 : memref<157x128xi32, #tpu.memory_space<vmem>>)
      tpu.yield
    }) : () -> ()
    %scan3A_15 = arith.constant 0 : i32
    %scan3A_16 = arith.constant 157 : i32
    %scan3A_17 = arith.addi %scan3A_15, %scan3A_16 : i32
    %scan3A_18 = arith.constant 1 : i32
    scf.for %scan3A_26 = %scan3A_15 to %scan3A_17 step %scan3A_18  : i32 {
      %dma_start3A = arith.constant 0 : i32
      %dma_start3A_27 = tpu.memref_slice %arg7[%scan3A_26, %dma_start3A] : memref<157x128xi32, #tpu.memory_space<vmem>> -> memref<1x128xi32, #tpu.memory_space<vmem>>
      %dma_start3A_28 = tpu.memref_squeeze %dma_start3A_27 : memref<1x128xi32, #tpu.memory_space<vmem>> -> memref<128xi32, #tpu.memory_space<vmem>>
      %dma_start3A_29 = arith.constant 0 : i32
      %dma_start3A_30 = arith.constant 0 : i32
      %dma_start3A_31 = tpu.memref_slice %arg2[%dma_start3A_29, %dma_start3A_30] : memref<10240x128xf32, #tpu.memory_space<hbm>> -> memref<10240x128xf32, #tpu.memory_space<hbm>>
      tpu.enqueue_indirect_dma source(%dma_start3A_31 : memref<10240x128xf32, #tpu.memory_space<hbm>>) target(%arg11 : memref<128x128xf32, #tpu.memory_space<vmem>>) offsets(%dma_start3A_28 : memref<128xi32, #tpu.memory_space<vmem>>) semaphore(%arg12 : memref<!tpu.dma_semaphore, #tpu.memory_space<semaphore_mem>>)
      %dma_wait3A = arith.constant 0 : i32
      %dma_wait3A_32 = tpu.memref_slice %arg7[%scan3A_26, %dma_wait3A] : memref<157x128xi32, #tpu.memory_space<vmem>> -> memref<1x128xi32, #tpu.memory_space<vmem>>
      %dma_wait3A_33 = tpu.memref_squeeze %dma_wait3A_32 : memref<1x128xi32, #tpu.memory_space<vmem>> -> memref<128xi32, #tpu.memory_space<vmem>>
      %dma_wait3A_34 = arith.constant 0 : i32
      %dma_wait3A_35 = arith.constant 0 : i32
      %dma_wait3A_36 = tpu.memref_slice %arg2[%dma_wait3A_34, %dma_wait3A_35] : memref<10240x128xf32, #tpu.memory_space<hbm>> -> memref<10240x128xf32, #tpu.memory_space<hbm>>
      tpu.wait_indirect_dma semaphore(%arg12 : memref<!tpu.dma_semaphore, #tpu.memory_space<semaphore_mem>>) src(%dma_wait3A_36 : memref<10240x128xf32, #tpu.memory_space<hbm>>) dst(%arg11 : memref<128x128xf32, #tpu.memory_space<vmem>>)
      "tpu.region"() ({
        %run_scoped3A = tpu.sem_alloc : memref<!tpu.dma_semaphore, #tpu.memory_space<semaphore_mem>>
        %dma_start3A_194 = arith.constant 0 : i32
        %dma_start3A_195 = arith.constant 0 : i32
        %dma_start3A_196 = tpu.memref_slice %arg5[%arg1, %scan3A_26, %dma_start3A_194, %dma_start3A_195] : memref<16x157x128x16xf32, #tpu.memory_space<hbm>> -> memref<1x1x128x16xf32, #tpu.memory_space<hbm>>
        %dma_start3A_197 = tpu.memref_squeeze %dma_start3A_196 : memref<1x1x128x16xf32, #tpu.memory_space<hbm>> -> memref<128x16xf32, #tpu.memory_space<hbm>>
        %dma_start3A_198 = arith.constant 0 : i32
        %dma_start3A_199 = arith.constant 0 : i32
        %dma_start3A_200 = tpu.memref_slice %arg5[%arg1, %scan3A_26, %dma_start3A_198, %dma_start3A_199] : memref<16x157x128x16xf32, #tpu.memory_space<hbm>> -> memref<1x1x128x16xf32, #tpu.memory_space<hbm>>
        %dma_start3A_201 = tpu.memref_squeeze %dma_start3A_200 : memref<1x1x128x16xf32, #tpu.memory_space<hbm>> -> memref<128x16xf32, #tpu.memory_space<hbm>>
        tpu.enqueue_dma source(%dma_start3A_201 : memref<128x16xf32, #tpu.memory_space<hbm>>) target(%arg10 : memref<128x16xf32, #tpu.memory_space<vmem>>) target_semaphore(%run_scoped3A : memref<!tpu.dma_semaphore, #tpu.memory_space<semaphore_mem>>)
        %dma_wait3A_202 = arith.constant 0 : i32
        %dma_wait3A_203 = arith.constant 0 : i32
        %dma_wait3A_204 = tpu.memref_slice %arg5[%arg1, %scan3A_26, %dma_wait3A_202, %dma_wait3A_203] : memref<16x157x128x16xf32, #tpu.memory_space<hbm>> -> memref<1x1x128x16xf32, #tpu.memory_space<hbm>>
        %dma_wait3A_205 = tpu.memref_squeeze %dma_wait3A_204 : memref<1x1x128x16xf32, #tpu.memory_space<hbm>> -> memref<128x16xf32, #tpu.memory_space<hbm>>
        %dma_wait3A_206 = arith.constant 0 : i32
        %dma_wait3A_207 = arith.constant 0 : i32
        %dma_wait3A_208 = tpu.memref_slice %arg5[%arg1, %scan3A_26, %dma_wait3A_206, %dma_wait3A_207] : memref<16x157x128x16xf32, #tpu.memory_space<hbm>> -> memref<1x1x128x16xf32, #tpu.memory_space<hbm>>
        %dma_wait3A_209 = tpu.memref_squeeze %dma_wait3A_208 : memref<1x1x128x16xf32, #tpu.memory_space<hbm>> -> memref<128x16xf32, #tpu.memory_space<hbm>>
        tpu.wait_dma2 semaphore(%run_scoped3A : memref<!tpu.dma_semaphore, #tpu.memory_space<semaphore_mem>>) src(%dma_wait3A_209 : memref<128x16xf32, #tpu.memory_space<hbm>>) dst(%arg10 : memref<128x16xf32, #tpu.memory_space<vmem>>)
        tpu.yield
      }) : () -> ()
      %scan3A_37 = arith.constant 0 : i32
      %scan3A_38 = arith.constant 128 : i32
      %scan3A_39 = arith.addi %scan3A_37, %scan3A_38 : i32
      %scan3A_40 = arith.constant 1 : i32
      scf.for %scan3A_194 = %scan3A_37 to %scan3A_39 step %scan3A_40  : i32 {
        %get3A_195 = arith.index_cast %scan3A_194 : i32 to index
        %get3A_196 = arith.constant 0 : index
        %get3A_197 = tpu.vector_load %arg10[%get3A_195, %get3A_196] {strides = array<i32>} : memref<128x16xf32, #tpu.memory_space<vmem>>, vector<1x16xf32>,
        %get3A_198 = vector.shape_cast %get3A_197 : vector<1x16xf32> to vector<16xf32>
        %get3A_199 = arith.index_cast %scan3A_194 : i32 to index
        %get3A_200 = arith.constant 0 : index
        %get3A_201 = tpu.vector_load %arg11[%get3A_199, %get3A_200] {strides = array<i32>} : memref<128x128xf32, #tpu.memory_space<vmem>>, vector<1x16xf32>,
        %get3A_202 = vector.shape_cast %get3A_201 : vector<1x16xf32> to vector<16xf32>
        %mul3A_203 = arith.mulf %get3A_202, %get3A_198 : vector<16xf32>
        %swap3A_204 = arith.index_cast %scan3A_194 : i32 to index
        %swap3A_205 = arith.constant 0 : index
        %swap3A_206 = tpu.vector_load %arg11[%swap3A_204, %swap3A_205] {strides = array<i32>} : memref<128x128xf32, #tpu.memory_space<vmem>>, vector<1x16xf32>,
        %swap3A_207 = vector.shape_cast %swap3A_206 : vector<1x16xf32> to vector<16xf32>
        %swap3A_208 = vector.shape_cast %mul3A_203 : vector<16xf32> to vector<1x16xf32>
        tpu.vector_store %arg11[%swap3A_204, %swap3A_205], %swap3A_208 {strides = array<i32>} : memref<128x128xf32, #tpu.memory_space<vmem>>, vector<1x16xf32>,
        %get3A_209 = arith.index_cast %scan3A_194 : i32 to index
        %get3A_210 = arith.constant 16 : index
        %get3A_211 = tpu.vector_load %arg11[%get3A_209, %get3A_210] {strides = array<i32>} : memref<128x128xf32, #tpu.memory_space<vmem>>, vector<1x16xf32>,
        %get3A_212 = vector.shape_cast %get3A_211 : vector<1x16xf32> to vector<16xf32>
        %mul3A_213 = arith.mulf %get3A_212, %get3A_198 : vector<16xf32>
        %swap3A_214 = arith.index_cast %scan3A_194 : i32 to index
        %swap3A_215 = arith.constant 16 : index
        %swap3A_216 = tpu.vector_load %arg11[%swap3A_214, %swap3A_215] {strides = array<i32>} : memref<128x128xf32, #tpu.memory_space<vmem>>, vector<1x16xf32>,
        %swap3A_217 = vector.shape_cast %swap3A_216 : vector<1x16xf32> to vector<16xf32>
        %swap3A_218 = vector.shape_cast %mul3A_213 : vector<16xf32> to vector<1x16xf32>
        tpu.vector_store %arg11[%swap3A_214, %swap3A_215], %swap3A_218 {strides = array<i32>} : memref<128x128xf32, #tpu.memory_space<vmem>>, vector<1x16xf32>,
        %get3A_219 = arith.index_cast %scan3A_194 : i32 to index
        %get3A_220 = arith.constant 32 : index
        %get3A_221 = tpu.vector_load %arg11[%get3A_219, %get3A_220] {strides = array<i32>} : memref<128x128xf32, #tpu.memory_space<vmem>>, vector<1x16xf32>,
        %get3A_222 = vector.shape_cast %get3A_221 : vector<1x16xf32> to vector<16xf32>
        %mul3A_223 = arith.mulf %get3A_222, %get3A_198 : vector<16xf32>
        %swap3A_224 = arith.index_cast %scan3A_194 : i32 to index
        %swap3A_225 = arith.constant 32 : index
        %swap3A_226 = tpu.vector_load %arg11[%swap3A_224, %swap3A_225] {strides = array<i32>} : memref<128x128xf32, #tpu.memory_space<vmem>>, vector<1x16xf32>,
        %swap3A_227 = vector.shape_cast %swap3A_226 : vector<1x16xf32> to vector<16xf32>
        %swap3A_228 = vector.shape_cast %mul3A_223 : vector<16xf32> to vector<1x16xf32>
        tpu.vector_store %arg11[%swap3A_224, %swap3A_225], %swap3A_228 {strides = array<i32>} : memref<128x128xf32, #tpu.memory_space<vmem>>, vector<1x16xf32>,
        %get3A_229 = arith.index_cast %scan3A_194 : i32 to index
        %get3A_230 = arith.constant 48 : index
        %get3A_231 = tpu.vector_load %arg11[%get3A_229, %get3A_230] {strides = array<i32>} : memref<128x128xf32, #tpu.memory_space<vmem>>, vector<1x16xf32>,
        %get3A_232 = vector.shape_cast %get3A_231 : vector<1x16xf32> to vector<16xf32>
        %mul3A_233 = arith.mulf %get3A_232, %get3A_198 : vector<16xf32>
        %swap3A_234 = arith.index_cast %scan3A_194 : i32 to index
        %swap3A_235 = arith.constant 48 : index
        %swap3A_236 = tpu.vector_load %arg11[%swap3A_234, %swap3A_235] {strides = array<i32>} : memref<128x128xf32, #tpu.memory_space<vmem>>, vector<1x16xf32>,
        %swap3A_237 = vector.shape_cast %swap3A_236 : vector<1x16xf32> to vector<16xf32>
        %swap3A_238 = vector.shape_cast %mul3A_233 : vector<16xf32> to vector<1x16xf32>
        tpu.vector_store %arg11[%swap3A_234, %swap3A_235], %swap3A_238 {strides = array<i32>} : memref<128x128xf32, #tpu.memory_space<vmem>>, vector<1x16xf32>,
        %get3A_239 = arith.index_cast %scan3A_194 : i32 to index
        %get3A_240 = arith.constant 64 : index
        %get3A_241 = tpu.vector_load %arg11[%get3A_239, %get3A_240] {strides = array<i32>} : memref<128x128xf32, #tpu.memory_space<vmem>>, vector<1x16xf32>,
        %get3A_242 = vector.shape_cast %get3A_241 : vector<1x16xf32> to vector<16xf32>
        %mul3A_243 = arith.mulf %get3A_242, %get3A_198 : vector<16xf32>
        %swap3A_244 = arith.index_cast %scan3A_194 : i32 to index
        %swap3A_245 = arith.constant 64 : index
        %swap3A_246 = tpu.vector_load %arg11[%swap3A_244, %swap3A_245] {strides = array<i32>} : memref<128x128xf32, #tpu.memory_space<vmem>>, vector<1x16xf32>,
        %swap3A_247 = vector.shape_cast %swap3A_246 : vector<1x16xf32> to vector<16xf32>
        %swap3A_248 = vector.shape_cast %mul3A_243 : vector<16xf32> to vector<1x16xf32>
        tpu.vector_store %arg11[%swap3A_244, %swap3A_245], %swap3A_248 {strides = array<i32>} : memref<128x128xf32, #tpu.memory_space<vmem>>, vector<1x16xf32>,
        %get3A_249 = arith.index_cast %scan3A_194 : i32 to index
        %get3A_250 = arith.constant 80 : index
        %get3A_251 = tpu.vector_load %arg11[%get3A_249, %get3A_250] {strides = array<i32>} : memref<128x128xf32, #tpu.memory_space<vmem>>, vector<1x16xf32>,
        %get3A_252 = vector.shape_cast %get3A_251 : vector<1x16xf32> to vector<16xf32>
        %mul3A_253 = arith.mulf %get3A_252, %get3A_198 : vector<16xf32>
        %swap3A_254 = arith.index_cast %scan3A_194 : i32 to index
        %swap3A_255 = arith.constant 80 : index
        %swap3A_256 = tpu.vector_load %arg11[%swap3A_254, %swap3A_255] {strides = array<i32>} : memref<128x128xf32, #tpu.memory_space<vmem>>, vector<1x16xf32>,
        %swap3A_257 = vector.shape_cast %swap3A_256 : vector<1x16xf32> to vector<16xf32>
        %swap3A_258 = vector.shape_cast %mul3A_253 : vector<16xf32> to vector<1x16xf32>
        tpu.vector_store %arg11[%swap3A_254, %swap3A_255], %swap3A_258 {strides = array<i32>} : memref<128x128xf32, #tpu.memory_space<vmem>>, vector<1x16xf32>,
        %get3A_259 = arith.index_cast %scan3A_194 : i32 to index
        %get3A_260 = arith.constant 96 : index
        %get3A_261 = tpu.vector_load %arg11[%get3A_259, %get3A_260] {strides = array<i32>} : memref<128x128xf32, #tpu.memory_space<vmem>>, vector<1x16xf32>,
        %get3A_262 = vector.shape_cast %get3A_261 : vector<1x16xf32> to vector<16xf32>
        %mul3A_263 = arith.mulf %get3A_262, %get3A_198 : vector<16xf32>
        %swap3A_264 = arith.index_cast %scan3A_194 : i32 to index
        %swap3A_265 = arith.constant 96 : index
        %swap3A_266 = tpu.vector_load %arg11[%swap3A_264, %swap3A_265] {strides = array<i32>} : memref<128x128xf32, #tpu.memory_space<vmem>>, vector<1x16xf32>,
        %swap3A_267 = vector.shape_cast %swap3A_266 : vector<1x16xf32> to vector<16xf32>
        %swap3A_268 = vector.shape_cast %mul3A_263 : vector<16xf32> to vector<1x16xf32>
        tpu.vector_store %arg11[%swap3A_264, %swap3A_265], %swap3A_268 {strides = array<i32>} : memref<128x128xf32, #tpu.memory_space<vmem>>, vector<1x16xf32>,
        %get3A_269 = arith.index_cast %scan3A_194 : i32 to index
        %get3A_270 = arith.constant 112 : index
        %get3A_271 = tpu.vector_load %arg11[%get3A_269, %get3A_270] {strides = array<i32>} : memref<128x128xf32, #tpu.memory_space<vmem>>, vector<1x16xf32>,
        %get3A_272 = vector.shape_cast %get3A_271 : vector<1x16xf32> to vector<16xf32>
        %mul3A_273 = arith.mulf %get3A_272, %get3A_198 : vector<16xf32>
        %swap3A_274 = arith.index_cast %scan3A_194 : i32 to index
        %swap3A_275 = arith.constant 112 : index
        %swap3A_276 = tpu.vector_load %arg11[%swap3A_274, %swap3A_275] {strides = array<i32>} : memref<128x128xf32, #tpu.memory_space<vmem>>, vector<1x16xf32>,
        %swap3A_277 = vector.shape_cast %swap3A_276 : vector<1x16xf32> to vector<16xf32>
        %swap3A_278 = vector.shape_cast %mul3A_273 : vector<16xf32> to vector<1x16xf32>
        tpu.vector_store %arg11[%swap3A_274, %swap3A_275], %swap3A_278 {strides = array<i32>} : memref<128x128xf32, #tpu.memory_space<vmem>>, vector<1x16xf32>,
      }
      %scan3A_41 = arith.constant 128 : i32
      %get3A = arith.index_cast %scan3A_26 : i32 to index
      %get3A_42 = arith.constant 0 : index
      %get3A_43 = tpu.vector_load %arg8[%get3A, %get3A_42] {strides = array<i32>} : memref<157x128xi32, #tpu.memory_space<vmem>>, vector<1x16xi32>,
      %get3A_44 = vector.shape_cast %get3A_43 : vector<1x16xi32> to vector<16xi32>
      %sub3A = vector.broadcast %mul3A_0 : i32 to vector<16xi32>
      %sub3A_45 = arith.subi %get3A_44, %sub3A : vector<16xi32>
      %ge3A = arith.constant 0 : i32
      %ge3A_46 = vector.broadcast %ge3A : i32 to vector<16xi32>
      %ge3A_47 = arith.cmpi sge, %sub3A_45, %ge3A_46 : vector<16xi32>
      %lt3A = arith.constant 5120 : i32
      %lt3A_48 = vector.broadcast %lt3A : i32 to vector<16xi32>
      %lt3A_49 = arith.cmpi slt, %sub3A_45, %lt3A_48 : vector<16xi32>
      %and3A = arith.andi %ge3A_47, %lt3A_49 : vector<16xi1>
      %jit3A = arith.constant 5120 : i32
      %broadcast_in_dim3A_50 = vector.broadcast %jit3A : i32 to vector<16xi32>
      %select_n3A = arith.select %and3A, %sub3A_45, %broadcast_in_dim3A_50 : vector<16xi1>, vector<16xi32>
      %swap3A = arith.constant 0 : index
      %swap3A_51 = tpu.vector_load %arg9[%swap3A] {strides = array<i32>} : memref<128xi32, #tpu.memory_space<vmem>>, vector<16xi32>,
      %swap3A_52 = vector.shape_cast %swap3A_51 : vector<16xi32> to vector<16xi32>
      %swap3A_53 = vector.shape_cast %select_n3A : vector<16xi32> to vector<16xi32>
      tpu.vector_store %arg9[%swap3A], %swap3A_53 {strides = array<i32>} : memref<128xi32, #tpu.memory_space<vmem>>, vector<16xi32>,
      %get3A_54 = arith.index_cast %scan3A_26 : i32 to index
      %get3A_55 = arith.constant 16 : index
      %get3A_56 = tpu.vector_load %arg8[%get3A_54, %get3A_55] {strides = array<i32>} : memref<157x128xi32, #tpu.memory_space<vmem>>, vector<1x16xi32>,
      %get3A_57 = vector.shape_cast %get3A_56 : vector<1x16xi32> to vector<16xi32>
      %sub3A_58 = vector.broadcast %mul3A_0 : i32 to vector<16xi32>
      %sub3A_59 = arith.subi %get3A_57, %sub3A_58 : vector<16xi32>
      %ge3A_60 = arith.constant 0 : i32
      %ge3A_61 = vector.broadcast %ge3A_60 : i32 to vector<16xi32>
      %ge3A_62 = arith.cmpi sge, %sub3A_59, %ge3A_61 : vector<16xi32>
      %lt3A_63 = arith.constant 5120 : i32
      %lt3A_64 = vector.broadcast %lt3A_63 : i32 to vector<16xi32>
      %lt3A_65 = arith.cmpi slt, %sub3A_59, %lt3A_64 : vector<16xi32>
      %and3A_66 = arith.andi %ge3A_62, %lt3A_65 : vector<16xi1>
      %jit3A_67 = arith.constant 5120 : i32
      %broadcast_in_dim3A_68 = vector.broadcast %jit3A_67 : i32 to vector<16xi32>
      %select_n3A_69 = arith.select %and3A_66, %sub3A_59, %broadcast_in_dim3A_68 : vector<16xi1>, vector<16xi32>
      %swap3A_70 = arith.constant 16 : index
      %swap3A_71 = tpu.vector_load %arg9[%swap3A_70] {strides = array<i32>} : memref<128xi32, #tpu.memory_space<vmem>>, vector<16xi32>,
      %swap3A_72 = vector.shape_cast %swap3A_71 : vector<16xi32> to vector<16xi32>
      %swap3A_73 = vector.shape_cast %select_n3A_69 : vector<16xi32> to vector<16xi32>
      tpu.vector_store %arg9[%swap3A_70], %swap3A_73 {strides = array<i32>} : memref<128xi32, #tpu.memory_space<vmem>>, vector<16xi32>,
      %get3A_74 = arith.index_cast %scan3A_26 : i32 to index
      %get3A_75 = arith.constant 32 : index
      %get3A_76 = tpu.vector_load %arg8[%get3A_74, %get3A_75] {strides = array<i32>} : memref<157x128xi32, #tpu.memory_space<vmem>>, vector<1x16xi32>,
      %get3A_77 = vector.shape_cast %get3A_76 : vector<1x16xi32> to vector<16xi32>
      %sub3A_78 = vector.broadcast %mul3A_0 : i32 to vector<16xi32>
      %sub3A_79 = arith.subi %get3A_77, %sub3A_78 : vector<16xi32>
      %ge3A_80 = arith.constant 0 : i32
      %ge3A_81 = vector.broadcast %ge3A_80 : i32 to vector<16xi32>
      %ge3A_82 = arith.cmpi sge, %sub3A_79, %ge3A_81 : vector<16xi32>
      %lt3A_83 = arith.constant 5120 : i32
      %lt3A_84 = vector.broadcast %lt3A_83 : i32 to vector<16xi32>
      %lt3A_85 = arith.cmpi slt, %sub3A_79, %lt3A_84 : vector<16xi32>
      %and3A_86 = arith.andi %ge3A_82, %lt3A_85 : vector<16xi1>
      %jit3A_87 = arith.constant 5120 : i32
      %broadcast_in_dim3A_88 = vector.broadcast %jit3A_87 : i32 to vector<16xi32>
      %select_n3A_89 = arith.select %and3A_86, %sub3A_79, %broadcast_in_dim3A_88 : vector<16xi1>, vector<16xi32>
      %swap3A_90 = arith.constant 32 : index
      %swap3A_91 = tpu.vector_load %arg9[%swap3A_90] {strides = array<i32>} : memref<128xi32, #tpu.memory_space<vmem>>, vector<16xi32>,
      %swap3A_92 = vector.shape_cast %swap3A_91 : vector<16xi32> to vector<16xi32>
      %swap3A_93 = vector.shape_cast %select_n3A_89 : vector<16xi32> to vector<16xi32>
      tpu.vector_store %arg9[%swap3A_90], %swap3A_93 {strides = array<i32>} : memref<128xi32, #tpu.memory_space<vmem>>, vector<16xi32>,
      %get3A_94 = arith.index_cast %scan3A_26 : i32 to index
      %get3A_95 = arith.constant 48 : index
      %get3A_96 = tpu.vector_load %arg8[%get3A_94, %get3A_95] {strides = array<i32>} : memref<157x128xi32, #tpu.memory_space<vmem>>, vector<1x16xi32>,
      %get3A_97 = vector.shape_cast %get3A_96 : vector<1x16xi32> to vector<16xi32>
      %sub3A_98 = vector.broadcast %mul3A_0 : i32 to vector<16xi32>
      %sub3A_99 = arith.subi %get3A_97, %sub3A_98 : vector<16xi32>
      %ge3A_100 = arith.constant 0 : i32
      %ge3A_101 = vector.broadcast %ge3A_100 : i32 to vector<16xi32>
      %ge3A_102 = arith.cmpi sge, %sub3A_99, %ge3A_101 : vector<16xi32>
      %lt3A_103 = arith.constant 5120 : i32
      %lt3A_104 = vector.broadcast %lt3A_103 : i32 to vector<16xi32>
      %lt3A_105 = arith.cmpi slt, %sub3A_99, %lt3A_104 : vector<16xi32>
      %and3A_106 = arith.andi %ge3A_102, %lt3A_105 : vector<16xi1>
      %jit3A_107 = arith.constant 5120 : i32
      %broadcast_in_dim3A_108 = vector.broadcast %jit3A_107 : i32 to vector<16xi32>
      %select_n3A_109 = arith.select %and3A_106, %sub3A_99, %broadcast_in_dim3A_108 : vector<16xi1>, vector<16xi32>
      %swap3A_110 = arith.constant 48 : index
      %swap3A_111 = tpu.vector_load %arg9[%swap3A_110] {strides = array<i32>} : memref<128xi32, #tpu.memory_space<vmem>>, vector<16xi32>,
      %swap3A_112 = vector.shape_cast %swap3A_111 : vector<16xi32> to vector<16xi32>
      %swap3A_113 = vector.shape_cast %select_n3A_109 : vector<16xi32> to vector<16xi32>
      tpu.vector_store %arg9[%swap3A_110], %swap3A_113 {strides = array<i32>} : memref<128xi32, #tpu.memory_space<vmem>>, vector<16xi32>,
      %get3A_114 = arith.index_cast %scan3A_26 : i32 to index
      %get3A_115 = arith.constant 64 : index
      %get3A_116 = tpu.vector_load %arg8[%get3A_114, %get3A_115] {strides = array<i32>} : memref<157x128xi32, #tpu.memory_space<vmem>>, vector<1x16xi32>,
      %get3A_117 = vector.shape_cast %get3A_116 : vector<1x16xi32> to vector<16xi32>
      %sub3A_118 = vector.broadcast %mul3A_0 : i32 to vector<16xi32>
      %sub3A_119 = arith.subi %get3A_117, %sub3A_118 : vector<16xi32>
      %ge3A_120 = arith.constant 0 : i32
      %ge3A_121 = vector.broadcast %ge3A_120 : i32 to vector<16xi32>
      %ge3A_122 = arith.cmpi sge, %sub3A_119, %ge3A_121 : vector<16xi32>
      %lt3A_123 = arith.constant 5120 : i32
      %lt3A_124 = vector.broadcast %lt3A_123 : i32 to vector<16xi32>
      %lt3A_125 = arith.cmpi slt, %sub3A_119, %lt3A_124 : vector<16xi32>
      %and3A_126 = arith.andi %ge3A_122, %lt3A_125 : vector<16xi1>
      %jit3A_127 = arith.constant 5120 : i32
      %broadcast_in_dim3A_128 = vector.broadcast %jit3A_127 : i32 to vector<16xi32>
      %select_n3A_129 = arith.select %and3A_126, %sub3A_119, %broadcast_in_dim3A_128 : vector<16xi1>, vector<16xi32>
      %swap3A_130 = arith.constant 64 : index
      %swap3A_131 = tpu.vector_load %arg9[%swap3A_130] {strides = array<i32>} : memref<128xi32, #tpu.memory_space<vmem>>, vector<16xi32>,
      %swap3A_132 = vector.shape_cast %swap3A_131 : vector<16xi32> to vector<16xi32>
      %swap3A_133 = vector.shape_cast %select_n3A_129 : vector<16xi32> to vector<16xi32>
      tpu.vector_store %arg9[%swap3A_130], %swap3A_133 {strides = array<i32>} : memref<128xi32, #tpu.memory_space<vmem>>, vector<16xi32>,
      %get3A_134 = arith.index_cast %scan3A_26 : i32 to index
      %get3A_135 = arith.constant 80 : index
      %get3A_136 = tpu.vector_load %arg8[%get3A_134, %get3A_135] {strides = array<i32>} : memref<157x128xi32, #tpu.memory_space<vmem>>, vector<1x16xi32>,
      %get3A_137 = vector.shape_cast %get3A_136 : vector<1x16xi32> to vector<16xi32>
      %sub3A_138 = vector.broadcast %mul3A_0 : i32 to vector<16xi32>
      %sub3A_139 = arith.subi %get3A_137, %sub3A_138 : vector<16xi32>
      %ge3A_140 = arith.constant 0 : i32
      %ge3A_141 = vector.broadcast %ge3A_140 : i32 to vector<16xi32>
      %ge3A_142 = arith.cmpi sge, %sub3A_139, %ge3A_141 : vector<16xi32>
      %lt3A_143 = arith.constant 5120 : i32
      %lt3A_144 = vector.broadcast %lt3A_143 : i32 to vector<16xi32>
      %lt3A_145 = arith.cmpi slt, %sub3A_139, %lt3A_144 : vector<16xi32>
      %and3A_146 = arith.andi %ge3A_142, %lt3A_145 : vector<16xi1>
      %jit3A_147 = arith.constant 5120 : i32
      %broadcast_in_dim3A_148 = vector.broadcast %jit3A_147 : i32 to vector<16xi32>
      %select_n3A_149 = arith.select %and3A_146, %sub3A_139, %broadcast_in_dim3A_148 : vector<16xi1>, vector<16xi32>
      %swap3A_150 = arith.constant 80 : index
      %swap3A_151 = tpu.vector_load %arg9[%swap3A_150] {strides = array<i32>} : memref<128xi32, #tpu.memory_space<vmem>>, vector<16xi32>,
      %swap3A_152 = vector.shape_cast %swap3A_151 : vector<16xi32> to vector<16xi32>
      %swap3A_153 = vector.shape_cast %select_n3A_149 : vector<16xi32> to vector<16xi32>
      tpu.vector_store %arg9[%swap3A_150], %swap3A_153 {strides = array<i32>} : memref<128xi32, #tpu.memory_space<vmem>>, vector<16xi32>,
      %get3A_154 = arith.index_cast %scan3A_26 : i32 to index
      %get3A_155 = arith.constant 96 : index
      %get3A_156 = tpu.vector_load %arg8[%get3A_154, %get3A_155] {strides = array<i32>} : memref<157x128xi32, #tpu.memory_space<vmem>>, vector<1x16xi32>,
      %get3A_157 = vector.shape_cast %get3A_156 : vector<1x16xi32> to vector<16xi32>
      %sub3A_158 = vector.broadcast %mul3A_0 : i32 to vector<16xi32>
      %sub3A_159 = arith.subi %get3A_157, %sub3A_158 : vector<16xi32>
      %ge3A_160 = arith.constant 0 : i32
      %ge3A_161 = vector.broadcast %ge3A_160 : i32 to vector<16xi32>
      %ge3A_162 = arith.cmpi sge, %sub3A_159, %ge3A_161 : vector<16xi32>
      %lt3A_163 = arith.constant 5120 : i32
      %lt3A_164 = vector.broadcast %lt3A_163 : i32 to vector<16xi32>
      %lt3A_165 = arith.cmpi slt, %sub3A_159, %lt3A_164 : vector<16xi32>
      %and3A_166 = arith.andi %ge3A_162, %lt3A_165 : vector<16xi1>
      %jit3A_167 = arith.constant 5120 : i32
      %broadcast_in_dim3A_168 = vector.broadcast %jit3A_167 : i32 to vector<16xi32>
      %select_n3A_169 = arith.select %and3A_166, %sub3A_159, %broadcast_in_dim3A_168 : vector<16xi1>, vector<16xi32>
      %swap3A_170 = arith.constant 96 : index
      %swap3A_171 = tpu.vector_load %arg9[%swap3A_170] {strides = array<i32>} : memref<128xi32, #tpu.memory_space<vmem>>, vector<16xi32>,
      %swap3A_172 = vector.shape_cast %swap3A_171 : vector<16xi32> to vector<16xi32>
      %swap3A_173 = vector.shape_cast %select_n3A_169 : vector<16xi32> to vector<16xi32>
      tpu.vector_store %arg9[%swap3A_170], %swap3A_173 {strides = array<i32>} : memref<128xi32, #tpu.memory_space<vmem>>, vector<16xi32>,
      %get3A_174 = arith.index_cast %scan3A_26 : i32 to index
      %get3A_175 = arith.constant 112 : index
      %get3A_176 = tpu.vector_load %arg8[%get3A_174, %get3A_175] {strides = array<i32>} : memref<157x128xi32, #tpu.memory_space<vmem>>, vector<1x16xi32>,
      %get3A_177 = vector.shape_cast %get3A_176 : vector<1x16xi32> to vector<16xi32>
      %sub3A_178 = vector.broadcast %mul3A_0 : i32 to vector<16xi32>
      %sub3A_179 = arith.subi %get3A_177, %sub3A_178 : vector<16xi32>
      %ge3A_180 = arith.constant 0 : i32
      %ge3A_181 = vector.broadcast %ge3A_180 : i32 to vector<16xi32>
      %ge3A_182 = arith.cmpi sge, %sub3A_179, %ge3A_181 : vector<16xi32>
      %lt3A_183 = arith.constant 5120 : i32
      %lt3A_184 = vector.broadcast %lt3A_183 : i32 to vector<16xi32>
      %lt3A_185 = arith.cmpi slt, %sub3A_179, %lt3A_184 : vector<16xi32>
      %and3A_186 = arith.andi %ge3A_182, %lt3A_185 : vector<16xi1>
      %jit3A_187 = arith.constant 5120 : i32
      %broadcast_in_dim3A_188 = vector.broadcast %jit3A_187 : i32 to vector<16xi32>
      %select_n3A_189 = arith.select %and3A_186, %sub3A_179, %broadcast_in_dim3A_188 : vector<16xi1>, vector<16xi32>
      %swap3A_190 = arith.constant 112 : index
      %swap3A_191 = tpu.vector_load %arg9[%swap3A_190] {strides = array<i32>} : memref<128xi32, #tpu.memory_space<vmem>>, vector<16xi32>,
      %swap3A_192 = vector.shape_cast %swap3A_191 : vector<16xi32> to vector<16xi32>
      %swap3A_193 = vector.shape_cast %select_n3A_189 : vector<16xi32> to vector<16xi32>
      tpu.vector_store %arg9[%swap3A_190], %swap3A_193 {strides = array<i32>} : memref<128xi32, #tpu.memory_space<vmem>>, vector<16xi32>,
      "tpu.region"() ({
        %run_scoped3A = tpu.sem_alloc : memref<!tpu.dma_semaphore, #tpu.memory_space<semaphore_mem>>
        %dma_start3A_194 = arith.constant 0 : i32
        %dma_start3A_195 = arith.constant 0 : i32
        %dma_start3A_196 = tpu.memref_slice %arg13[%dma_start3A_194, %dma_start3A_195] : memref<5136x128xf32, #tpu.memory_space<vmem_shared>> -> memref<5136x128xf32, #tpu.memory_space<vmem_shared>>
        tpu.enqueue_indirect_dma source(%arg11 : memref<128x128xf32, #tpu.memory_space<vmem>>) target(%dma_start3A_196 : memref<5136x128xf32, #tpu.memory_space<vmem_shared>>) offsets(%arg9 : memref<128xi32, #tpu.memory_space<vmem>>) semaphore(%run_scoped3A : memref<!tpu.dma_semaphore, #tpu.memory_space<semaphore_mem>>) {add = true}
        %dma_wait3A_197 = arith.constant 0 : i32
        %dma_wait3A_198 = arith.constant 0 : i32
        %dma_wait3A_199 = tpu.memref_slice %arg13[%dma_wait3A_197, %dma_wait3A_198] : memref<5136x128xf32, #tpu.memory_space<vmem_shared>> -> memref<5136x128xf32, #tpu.memory_space<vmem_shared>>
        tpu.wait_indirect_dma semaphore(%run_scoped3A : memref<!tpu.dma_semaphore, #tpu.memory_space<semaphore_mem>>) src(%arg11 : memref<128x128xf32, #tpu.memory_space<vmem>>) dst(%dma_wait3A_199 : memref<5136x128xf32, #tpu.memory_space<vmem_shared>>)
        tpu.yield
      }) : () -> ()
    }
    %scan3A_19 = arith.constant 157 : i32
    %barrier3A_20 = arith.constant 0 : index
    tpu.barrier barrier_id(%barrier3A_20)
    %mul3A_21 = arith.constant 320 : i32
    %mul3A_22 = arith.muli %arg1, %mul3A_21 : i32
    %mul3A_23 = arith.constant 320 : i32
    %mul3A_24 = arith.muli %arg1, %mul3A_23 : i32
    %add3A_25 = arith.addi %mul3A_0, %mul3A_24 : i32
    "tpu.region"() ({
      %run_scoped3A = tpu.sem_alloc : memref<!tpu.dma_semaphore, #tpu.memory_space<semaphore_mem>>
      %dma_start3A = arith.constant 0 : i32
      %dma_start3A_26 = tpu.memref_slice %arg6[%add3A_25, %dma_start3A] : memref<10240x128xf32, #tpu.memory_space<hbm>> -> memref<320x128xf32, #tpu.memory_space<hbm>>
      %dma_start3A_27 = arith.constant 0 : i32
      %dma_start3A_28 = tpu.memref_slice %arg13[%mul3A_22, %dma_start3A_27] : memref<5136x128xf32, #tpu.memory_space<vmem_shared>> -> memref<320x128xf32, #tpu.memory_space<vmem_shared>>
      tpu.enqueue_dma source(%dma_start3A_28 : memref<320x128xf32, #tpu.memory_space<vmem_shared>>) target(%dma_start3A_26 : memref<320x128xf32, #tpu.memory_space<hbm>>) target_semaphore(%run_scoped3A : memref<!tpu.dma_semaphore, #tpu.memory_space<semaphore_mem>>)
      %dma_wait3A = arith.constant 0 : i32
      %dma_wait3A_29 = tpu.memref_slice %arg6[%add3A_25, %dma_wait3A] : memref<10240x128xf32, #tpu.memory_space<hbm>> -> memref<320x128xf32, #tpu.memory_space<hbm>>
      %dma_wait3A_30 = arith.constant 0 : i32
      %dma_wait3A_31 = tpu.memref_slice %arg13[%mul3A_22, %dma_wait3A_30] : memref<5136x128xf32, #tpu.memory_space<vmem_shared>> -> memref<320x128xf32, #tpu.memory_space<vmem_shared>>
      tpu.wait_dma2 semaphore(%run_scoped3A : memref<!tpu.dma_semaphore, #tpu.memory_space<semaphore_mem>>) src(%dma_wait3A_31 : memref<320x128xf32, #tpu.memory_space<vmem_shared>>) dst(%dma_wait3A_29 : memref<320x128xf32, #tpu.memory_space<hbm>>)
      tpu.yield
    }) : () -> ()
    return
  }
}

#map = affine_map<(d0, d1) -> (0, 0)>
#map1 = affine_map<(d0, d1) -> (0, 0, 0)>
#map2 = affine_map<(d0, d1) -> (0, 0, 0, 0)>
module attributes {stable_mosaic.version = 14 : i64} {
  func.func @_sc_edge_pass(%arg0: i32, %arg1: i32, %arg2: memref<10240x128xf32, #tpu.memory_space<hbm>>, %arg3: memref<16x157x128xi32, #tpu.memory_space<hbm>>, %arg4: memref<16x157x128xi32, #tpu.memory_space<hbm>>, %arg5: memref<16x157x128x16xf32, #tpu.memory_space<hbm>>, %arg6: memref<10240x128xf32, #tpu.memory_space<hbm>>, %arg7: memref<157x128xi32, #tpu.memory_space<vmem>>, %arg8: memref<157x128xi32, #tpu.memory_space<vmem>>, %arg9: memref<128xi32, #tpu.memory_space<vmem>>, %arg10: memref<128x16xf32, #tpu.memory_space<vmem>>, %arg11: memref<128x128xf32, #tpu.memory_space<vmem>>, %arg12: memref<!tpu.dma_semaphore, #tpu.memory_space<semaphore_mem>>, %arg13: memref<5136x128xf32, #tpu.memory_space<vmem_shared>>) attributes {dimension_semantics = [#tpu.dimension_semantics<core_parallel>, #tpu.dimension_semantics<subcore_parallel>], iteration_bounds = array<i64: 2, 16>, scalar_prefetch = 0 : i64, scratch_operands = 7 : i64, tpu.core_type = #tpu.core_type<sc_vector_subcore>, window_params = [{transform_indices = #map}, {transform_indices = #map1}, {transform_indices = #map1}, {transform_indices = #map2}, {transform_indices = #map}]} {
    %mul3A = arith.constant 5120 : i32
    %mul3A_0 = arith.muli %arg0, %mul3A : i32
    %broadcast_in_dim3A = arith.constant 0.000000e+00 : f32
    %broadcast_in_dim3A_1 = vector.broadcast %broadcast_in_dim3A : f32 to vector<16xf32>
    %scan3A = arith.constant 0 : i32
    %scan3A_2 = arith.constant 128 : i32
    %scan3A_3 = arith.addi %scan3A, %scan3A_2 : i32
    %scan3A_4 = arith.constant 1 : i32
    scf.for %scan3A_26 = %scan3A to %scan3A_3 step %scan3A_4  : i32 {
      %swap3A = arith.index_cast %scan3A_26 : i32 to index
      %swap3A_27 = arith.constant 0 : index
      %swap3A_28 = tpu.vector_load %arg11[%swap3A, %swap3A_27] {strides = array<i32>} : memref<128x128xf32, #tpu.memory_space<vmem>>, vector<1x16xf32>,
      %swap3A_29 = vector.shape_cast %swap3A_28 : vector<1x16xf32> to vector<16xf32>
      %swap3A_30 = vector.shape_cast %broadcast_in_dim3A_1 : vector<16xf32> to vector<1x16xf32>
      tpu.vector_store %arg11[%swap3A, %swap3A_27], %swap3A_30 {strides = array<i32>} : memref<128x128xf32, #tpu.memory_space<vmem>>, vector<1x16xf32>,
      %swap3A_31 = arith.index_cast %scan3A_26 : i32 to index
      %swap3A_32 = arith.constant 16 : index
      %swap3A_33 = tpu.vector_load %arg11[%swap3A_31, %swap3A_32] {strides = array<i32>} : memref<128x128xf32, #tpu.memory_space<vmem>>, vector<1x16xf32>,
      %swap3A_34 = vector.shape_cast %swap3A_33 : vector<1x16xf32> to vector<16xf32>
      %swap3A_35 = vector.shape_cast %broadcast_in_dim3A_1 : vector<16xf32> to vector<1x16xf32>
      tpu.vector_store %arg11[%swap3A_31, %swap3A_32], %swap3A_35 {strides = array<i32>} : memref<128x128xf32, #tpu.memory_space<vmem>>, vector<1x16xf32>,
      %swap3A_36 = arith.index_cast %scan3A_26 : i32 to index
      %swap3A_37 = arith.constant 32 : index
      %swap3A_38 = tpu.vector_load %arg11[%swap3A_36, %swap3A_37] {strides = array<i32>} : memref<128x128xf32, #tpu.memory_space<vmem>>, vector<1x16xf32>,
      %swap3A_39 = vector.shape_cast %swap3A_38 : vector<1x16xf32> to vector<16xf32>
      %swap3A_40 = vector.shape_cast %broadcast_in_dim3A_1 : vector<16xf32> to vector<1x16xf32>
      tpu.vector_store %arg11[%swap3A_36, %swap3A_37], %swap3A_40 {strides = array<i32>} : memref<128x128xf32, #tpu.memory_space<vmem>>, vector<1x16xf32>,
      %swap3A_41 = arith.index_cast %scan3A_26 : i32 to index
      %swap3A_42 = arith.constant 48 : index
      %swap3A_43 = tpu.vector_load %arg11[%swap3A_41, %swap3A_42] {strides = array<i32>} : memref<128x128xf32, #tpu.memory_space<vmem>>, vector<1x16xf32>,
      %swap3A_44 = vector.shape_cast %swap3A_43 : vector<1x16xf32> to vector<16xf32>
      %swap3A_45 = vector.shape_cast %broadcast_in_dim3A_1 : vector<16xf32> to vector<1x16xf32>
      tpu.vector_store %arg11[%swap3A_41, %swap3A_42], %swap3A_45 {strides = array<i32>} : memref<128x128xf32, #tpu.memory_space<vmem>>, vector<1x16xf32>,
      %swap3A_46 = arith.index_cast %scan3A_26 : i32 to index
      %swap3A_47 = arith.constant 64 : index
      %swap3A_48 = tpu.vector_load %arg11[%swap3A_46, %swap3A_47] {strides = array<i32>} : memref<128x128xf32, #tpu.memory_space<vmem>>, vector<1x16xf32>,
      %swap3A_49 = vector.shape_cast %swap3A_48 : vector<1x16xf32> to vector<16xf32>
      %swap3A_50 = vector.shape_cast %broadcast_in_dim3A_1 : vector<16xf32> to vector<1x16xf32>
      tpu.vector_store %arg11[%swap3A_46, %swap3A_47], %swap3A_50 {strides = array<i32>} : memref<128x128xf32, #tpu.memory_space<vmem>>, vector<1x16xf32>,
      %swap3A_51 = arith.index_cast %scan3A_26 : i32 to index
      %swap3A_52 = arith.constant 80 : index
      %swap3A_53 = tpu.vector_load %arg11[%swap3A_51, %swap3A_52] {strides = array<i32>} : memref<128x128xf32, #tpu.memory_space<vmem>>, vector<1x16xf32>,
      %swap3A_54 = vector.shape_cast %swap3A_53 : vector<1x16xf32> to vector<16xf32>
      %swap3A_55 = vector.shape_cast %broadcast_in_dim3A_1 : vector<16xf32> to vector<1x16xf32>
      tpu.vector_store %arg11[%swap3A_51, %swap3A_52], %swap3A_55 {strides = array<i32>} : memref<128x128xf32, #tpu.memory_space<vmem>>, vector<1x16xf32>,
      %swap3A_56 = arith.index_cast %scan3A_26 : i32 to index
      %swap3A_57 = arith.constant 96 : index
      %swap3A_58 = tpu.vector_load %arg11[%swap3A_56, %swap3A_57] {strides = array<i32>} : memref<128x128xf32, #tpu.memory_space<vmem>>, vector<1x16xf32>,
      %swap3A_59 = vector.shape_cast %swap3A_58 : vector<1x16xf32> to vector<16xf32>
      %swap3A_60 = vector.shape_cast %broadcast_in_dim3A_1 : vector<16xf32> to vector<1x16xf32>
      tpu.vector_store %arg11[%swap3A_56, %swap3A_57], %swap3A_60 {strides = array<i32>} : memref<128x128xf32, #tpu.memory_space<vmem>>, vector<1x16xf32>,
      %swap3A_61 = arith.index_cast %scan3A_26 : i32 to index
      %swap3A_62 = arith.constant 112 : index
      %swap3A_63 = tpu.vector_load %arg11[%swap3A_61, %swap3A_62] {strides = array<i32>} : memref<128x128xf32, #tpu.memory_space<vmem>>, vector<1x16xf32>,
      %swap3A_64 = vector.shape_cast %swap3A_63 : vector<1x16xf32> to vector<16xf32>
      %swap3A_65 = vector.shape_cast %broadcast_in_dim3A_1 : vector<16xf32> to vector<1x16xf32>
      tpu.vector_store %arg11[%swap3A_61, %swap3A_62], %swap3A_65 {strides = array<i32>} : memref<128x128xf32, #tpu.memory_space<vmem>>, vector<1x16xf32>,
    }
    %scan3A_5 = arith.constant 128 : i32
    %mul3A_6 = arith.constant 321 : i32
    %mul3A_7 = arith.muli %arg1, %mul3A_6 : i32
    "tpu.region"() ({
      %run_scoped3A = tpu.sem_alloc : memref<!tpu.dma_semaphore, #tpu.memory_space<semaphore_mem>>
      %dma_start3A = arith.constant 0 : i32
      %dma_start3A_26 = tpu.memref_slice %arg13[%mul3A_7, %dma_start3A] : memref<5136x128xf32, #tpu.memory_space<vmem_shared>> -> memref<128x128xf32, #tpu.memory_space<vmem_shared>>
      %dma_start3A_27 = arith.constant 0 : i32
      %dma_start3A_28 = tpu.memref_slice %arg13[%mul3A_7, %dma_start3A_27] : memref<5136x128xf32, #tpu.memory_space<vmem_shared>> -> memref<128x128xf32, #tpu.memory_space<vmem_shared>>
      tpu.enqueue_dma source(%arg11 : memref<128x128xf32, #tpu.memory_space<vmem>>) target(%dma_start3A_28 : memref<128x128xf32, #tpu.memory_space<vmem_shared>>) target_semaphore(%run_scoped3A : memref<!tpu.dma_semaphore, #tpu.memory_space<semaphore_mem>>)
      %dma_wait3A = arith.constant 0 : i32
      %dma_wait3A_29 = tpu.memref_slice %arg13[%mul3A_7, %dma_wait3A] : memref<5136x128xf32, #tpu.memory_space<vmem_shared>> -> memref<128x128xf32, #tpu.memory_space<vmem_shared>>
      %dma_wait3A_30 = arith.constant 0 : i32
      %dma_wait3A_31 = tpu.memref_slice %arg13[%mul3A_7, %dma_wait3A_30] : memref<5136x128xf32, #tpu.memory_space<vmem_shared>> -> memref<128x128xf32, #tpu.memory_space<vmem_shared>>
      tpu.wait_dma2 semaphore(%run_scoped3A : memref<!tpu.dma_semaphore, #tpu.memory_space<semaphore_mem>>) src(%arg11 : memref<128x128xf32, #tpu.memory_space<vmem>>) dst(%dma_wait3A_31 : memref<128x128xf32, #tpu.memory_space<vmem_shared>>)
      tpu.yield
    }) : () -> ()
    %mul3A_8 = arith.constant 321 : i32
    %mul3A_9 = arith.muli %arg1, %mul3A_8 : i32
    %add3A = arith.constant 128 : i32
    %add3A_10 = arith.addi %mul3A_9, %add3A : i32
    "tpu.region"() ({
      %run_scoped3A = tpu.sem_alloc : memref<!tpu.dma_semaphore, #tpu.memory_space<semaphore_mem>>
      %dma_start3A = arith.constant 0 : i32
      %dma_start3A_26 = tpu.memref_slice %arg13[%add3A_10, %dma_start3A] : memref<5136x128xf32, #tpu.memory_space<vmem_shared>> -> memref<128x128xf32, #tpu.memory_space<vmem_shared>>
      %dma_start3A_27 = arith.constant 0 : i32
      %dma_start3A_28 = tpu.memref_slice %arg13[%add3A_10, %dma_start3A_27] : memref<5136x128xf32, #tpu.memory_space<vmem_shared>> -> memref<128x128xf32, #tpu.memory_space<vmem_shared>>
      tpu.enqueue_dma source(%arg11 : memref<128x128xf32, #tpu.memory_space<vmem>>) target(%dma_start3A_28 : memref<128x128xf32, #tpu.memory_space<vmem_shared>>) target_semaphore(%run_scoped3A : memref<!tpu.dma_semaphore, #tpu.memory_space<semaphore_mem>>)
      %dma_wait3A = arith.constant 0 : i32
      %dma_wait3A_29 = tpu.memref_slice %arg13[%add3A_10, %dma_wait3A] : memref<5136x128xf32, #tpu.memory_space<vmem_shared>> -> memref<128x128xf32, #tpu.memory_space<vmem_shared>>
      %dma_wait3A_30 = arith.constant 0 : i32
      %dma_wait3A_31 = tpu.memref_slice %arg13[%add3A_10, %dma_wait3A_30] : memref<5136x128xf32, #tpu.memory_space<vmem_shared>> -> memref<128x128xf32, #tpu.memory_space<vmem_shared>>
      tpu.wait_dma2 semaphore(%run_scoped3A : memref<!tpu.dma_semaphore, #tpu.memory_space<semaphore_mem>>) src(%arg11 : memref<128x128xf32, #tpu.memory_space<vmem>>) dst(%dma_wait3A_31 : memref<128x128xf32, #tpu.memory_space<vmem_shared>>)
      tpu.yield
    }) : () -> ()
    %mul3A_11 = arith.constant 321 : i32
    %mul3A_12 = arith.muli %arg1, %mul3A_11 : i32
    %add3A_13 = arith.constant 256 : i32
    %add3A_14 = arith.addi %mul3A_12, %add3A_13 : i32
    "tpu.region"() ({
      %run_scoped3A = tpu.sem_alloc : memref<!tpu.dma_semaphore, #tpu.memory_space<semaphore_mem>>
      %dma_start3A = arith.constant 0 : i32
      %dma_start3A_26 = arith.constant 0 : i32
      %dma_start3A_27 = tpu.memref_slice %arg11[%dma_start3A, %dma_start3A_26] : memref<128x128xf32, #tpu.memory_space<vmem>> -> memref<65x128xf32, #tpu.memory_space<vmem>>
      %dma_start3A_28 = arith.constant 0 : i32
      %dma_start3A_29 = tpu.memref_slice %arg13[%add3A_14, %dma_start3A_28] : memref<5136x128xf32, #tpu.memory_space<vmem_shared>> -> memref<65x128xf32, #tpu.memory_space<vmem_shared>>
      %dma_start3A_30 = arith.constant 0 : i32
      %dma_start3A_31 = tpu.memref_slice %arg13[%add3A_14, %dma_start3A_30] : memref<5136x128xf32, #tpu.memory_space<vmem_shared>> -> memref<65x128xf32, #tpu.memory_space<vmem_shared>>
      %dma_start3A_32 = arith.constant 0 : i32
      %dma_start3A_33 = arith.constant 0 : i32
      %dma_start3A_34 = tpu.memref_slice %arg11[%dma_start3A_32, %dma_start3A_33] : memref<128x128xf32, #tpu.memory_space<vmem>> -> memref<65x128xf32, #tpu.memory_space<vmem>>
      tpu.enqueue_dma source(%dma_start3A_34 : memref<65x128xf32, #tpu.memory_space<vmem>>) target(%dma_start3A_31 : memref<65x128xf32, #tpu.memory_space<vmem_shared>>) target_semaphore(%run_scoped3A : memref<!tpu.dma_semaphore, #tpu.memory_space<semaphore_mem>>)
      %dma_wait3A = arith.constant 0 : i32
      %dma_wait3A_35 = arith.constant 0 : i32
      %dma_wait3A_36 = tpu.memref_slice %arg11[%dma_wait3A, %dma_wait3A_35] : memref<128x128xf32, #tpu.memory_space<vmem>> -> memref<65x128xf32, #tpu.memory_space<vmem>>
      %dma_wait3A_37 = arith.constant 0 : i32
      %dma_wait3A_38 = tpu.memref_slice %arg13[%add3A_14, %dma_wait3A_37] : memref<5136x128xf32, #tpu.memory_space<vmem_shared>> -> memref<65x128xf32, #tpu.memory_space<vmem_shared>>
      %dma_wait3A_39 = arith.constant 0 : i32
      %dma_wait3A_40 = tpu.memref_slice %arg13[%add3A_14, %dma_wait3A_39] : memref<5136x128xf32, #tpu.memory_space<vmem_shared>> -> memref<65x128xf32, #tpu.memory_space<vmem_shared>>
      %dma_wait3A_41 = arith.constant 0 : i32
      %dma_wait3A_42 = arith.constant 0 : i32
      %dma_wait3A_43 = tpu.memref_slice %arg11[%dma_wait3A_41, %dma_wait3A_42] : memref<128x128xf32, #tpu.memory_space<vmem>> -> memref<65x128xf32, #tpu.memory_space<vmem>>
      tpu.wait_dma2 semaphore(%run_scoped3A : memref<!tpu.dma_semaphore, #tpu.memory_space<semaphore_mem>>) src(%dma_wait3A_43 : memref<65x128xf32, #tpu.memory_space<vmem>>) dst(%dma_wait3A_40 : memref<65x128xf32, #tpu.memory_space<vmem_shared>>)
      tpu.yield
    }) : () -> ()
    %barrier3A = arith.constant 0 : index
    tpu.barrier barrier_id(%barrier3A)
    "tpu.region"() ({
      %run_scoped3A = tpu.sem_alloc : memref<!tpu.dma_semaphore, #tpu.memory_space<semaphore_mem>>
      %dma_start3A = arith.constant 0 : i32
      %dma_start3A_26 = arith.constant 0 : i32
      %dma_start3A_27 = tpu.memref_slice %arg3[%arg1, %dma_start3A, %dma_start3A_26] : memref<16x157x128xi32, #tpu.memory_space<hbm>> -> memref<1x157x128xi32, #tpu.memory_space<hbm>>
      %dma_start3A_28 = tpu.memref_squeeze %dma_start3A_27 : memref<1x157x128xi32, #tpu.memory_space<hbm>> -> memref<157x128xi32, #tpu.memory_space<hbm>>
      %dma_start3A_29 = arith.constant 0 : i32
      %dma_start3A_30 = arith.constant 0 : i32
      %dma_start3A_31 = tpu.memref_slice %arg3[%arg1, %dma_start3A_29, %dma_start3A_30] : memref<16x157x128xi32, #tpu.memory_space<hbm>> -> memref<1x157x128xi32, #tpu.memory_space<hbm>>
      %dma_start3A_32 = tpu.memref_squeeze %dma_start3A_31 : memref<1x157x128xi32, #tpu.memory_space<hbm>> -> memref<157x128xi32, #tpu.memory_space<hbm>>
      tpu.enqueue_dma source(%dma_start3A_32 : memref<157x128xi32, #tpu.memory_space<hbm>>) target(%arg7 : memref<157x128xi32, #tpu.memory_space<vmem>>) target_semaphore(%run_scoped3A : memref<!tpu.dma_semaphore, #tpu.memory_space<semaphore_mem>>)
      %dma_wait3A = arith.constant 0 : i32
      %dma_wait3A_33 = arith.constant 0 : i32
      %dma_wait3A_34 = tpu.memref_slice %arg3[%arg1, %dma_wait3A, %dma_wait3A_33] : memref<16x157x128xi32, #tpu.memory_space<hbm>> -> memref<1x157x128xi32, #tpu.memory_space<hbm>>
      %dma_wait3A_35 = tpu.memref_squeeze %dma_wait3A_34 : memref<1x157x128xi32, #tpu.memory_space<hbm>> -> memref<157x128xi32, #tpu.memory_space<hbm>>
      %dma_wait3A_36 = arith.constant 0 : i32
      %dma_wait3A_37 = arith.constant 0 : i32
      %dma_wait3A_38 = tpu.memref_slice %arg3[%arg1, %dma_wait3A_36, %dma_wait3A_37] : memref<16x157x128xi32, #tpu.memory_space<hbm>> -> memref<1x157x128xi32, #tpu.memory_space<hbm>>
      %dma_wait3A_39 = tpu.memref_squeeze %dma_wait3A_38 : memref<1x157x128xi32, #tpu.memory_space<hbm>> -> memref<157x128xi32, #tpu.memory_space<hbm>>
      tpu.wait_dma2 semaphore(%run_scoped3A : memref<!tpu.dma_semaphore, #tpu.memory_space<semaphore_mem>>) src(%dma_wait3A_39 : memref<157x128xi32, #tpu.memory_space<hbm>>) dst(%arg7 : memref<157x128xi32, #tpu.memory_space<vmem>>)
      tpu.yield
    }) : () -> ()
    "tpu.region"() ({
      %run_scoped3A = tpu.sem_alloc : memref<!tpu.dma_semaphore, #tpu.memory_space<semaphore_mem>>
      %dma_start3A = arith.constant 0 : i32
      %dma_start3A_26 = arith.constant 0 : i32
      %dma_start3A_27 = tpu.memref_slice %arg4[%arg1, %dma_start3A, %dma_start3A_26] : memref<16x157x128xi32, #tpu.memory_space<hbm>> -> memref<1x157x128xi32, #tpu.memory_space<hbm>>
      %dma_start3A_28 = tpu.memref_squeeze %dma_start3A_27 : memref<1x157x128xi32, #tpu.memory_space<hbm>> -> memref<157x128xi32, #tpu.memory_space<hbm>>
      %dma_start3A_29 = arith.constant 0 : i32
      %dma_start3A_30 = arith.constant 0 : i32
      %dma_start3A_31 = tpu.memref_slice %arg4[%arg1, %dma_start3A_29, %dma_start3A_30] : memref<16x157x128xi32, #tpu.memory_space<hbm>> -> memref<1x157x128xi32, #tpu.memory_space<hbm>>
      %dma_start3A_32 = tpu.memref_squeeze %dma_start3A_31 : memref<1x157x128xi32, #tpu.memory_space<hbm>> -> memref<157x128xi32, #tpu.memory_space<hbm>>
      tpu.enqueue_dma source(%dma_start3A_32 : memref<157x128xi32, #tpu.memory_space<hbm>>) target(%arg8 : memref<157x128xi32, #tpu.memory_space<vmem>>) target_semaphore(%run_scoped3A : memref<!tpu.dma_semaphore, #tpu.memory_space<semaphore_mem>>)
      %dma_wait3A = arith.constant 0 : i32
      %dma_wait3A_33 = arith.constant 0 : i32
      %dma_wait3A_34 = tpu.memref_slice %arg4[%arg1, %dma_wait3A, %dma_wait3A_33] : memref<16x157x128xi32, #tpu.memory_space<hbm>> -> memref<1x157x128xi32, #tpu.memory_space<hbm>>
      %dma_wait3A_35 = tpu.memref_squeeze %dma_wait3A_34 : memref<1x157x128xi32, #tpu.memory_space<hbm>> -> memref<157x128xi32, #tpu.memory_space<hbm>>
      %dma_wait3A_36 = arith.constant 0 : i32
      %dma_wait3A_37 = arith.constant 0 : i32
      %dma_wait3A_38 = tpu.memref_slice %arg4[%arg1, %dma_wait3A_36, %dma_wait3A_37] : memref<16x157x128xi32, #tpu.memory_space<hbm>> -> memref<1x157x128xi32, #tpu.memory_space<hbm>>
      %dma_wait3A_39 = tpu.memref_squeeze %dma_wait3A_38 : memref<1x157x128xi32, #tpu.memory_space<hbm>> -> memref<157x128xi32, #tpu.memory_space<hbm>>
      tpu.wait_dma2 semaphore(%run_scoped3A : memref<!tpu.dma_semaphore, #tpu.memory_space<semaphore_mem>>) src(%dma_wait3A_39 : memref<157x128xi32, #tpu.memory_space<hbm>>) dst(%arg8 : memref<157x128xi32, #tpu.memory_space<vmem>>)
      tpu.yield
    }) : () -> ()
    %scan3A_15 = arith.constant 0 : i32
    %scan3A_16 = arith.constant 157 : i32
    %scan3A_17 = arith.addi %scan3A_15, %scan3A_16 : i32
    %scan3A_18 = arith.constant 1 : i32
    scf.for %scan3A_26 = %scan3A_15 to %scan3A_17 step %scan3A_18  : i32 {
      %dma_start3A = arith.constant 0 : i32
      %dma_start3A_27 = tpu.memref_slice %arg7[%scan3A_26, %dma_start3A] : memref<157x128xi32, #tpu.memory_space<vmem>> -> memref<1x128xi32, #tpu.memory_space<vmem>>
      %dma_start3A_28 = tpu.memref_squeeze %dma_start3A_27 : memref<1x128xi32, #tpu.memory_space<vmem>> -> memref<128xi32, #tpu.memory_space<vmem>>
      %dma_start3A_29 = arith.constant 0 : i32
      %dma_start3A_30 = arith.constant 0 : i32
      %dma_start3A_31 = tpu.memref_slice %arg2[%dma_start3A_29, %dma_start3A_30] : memref<10240x128xf32, #tpu.memory_space<hbm>> -> memref<10240x128xf32, #tpu.memory_space<hbm>>
      tpu.enqueue_indirect_dma source(%dma_start3A_31 : memref<10240x128xf32, #tpu.memory_space<hbm>>) target(%arg11 : memref<128x128xf32, #tpu.memory_space<vmem>>) offsets(%dma_start3A_28 : memref<128xi32, #tpu.memory_space<vmem>>) semaphore(%arg12 : memref<!tpu.dma_semaphore, #tpu.memory_space<semaphore_mem>>)
      %dma_wait3A = arith.constant 0 : i32
      %dma_wait3A_32 = tpu.memref_slice %arg7[%scan3A_26, %dma_wait3A] : memref<157x128xi32, #tpu.memory_space<vmem>> -> memref<1x128xi32, #tpu.memory_space<vmem>>
      %dma_wait3A_33 = tpu.memref_squeeze %dma_wait3A_32 : memref<1x128xi32, #tpu.memory_space<vmem>> -> memref<128xi32, #tpu.memory_space<vmem>>
      %dma_wait3A_34 = arith.constant 0 : i32
      %dma_wait3A_35 = arith.constant 0 : i32
      %dma_wait3A_36 = tpu.memref_slice %arg2[%dma_wait3A_34, %dma_wait3A_35] : memref<10240x128xf32, #tpu.memory_space<hbm>> -> memref<10240x128xf32, #tpu.memory_space<hbm>>
      tpu.wait_indirect_dma semaphore(%arg12 : memref<!tpu.dma_semaphore, #tpu.memory_space<semaphore_mem>>) src(%dma_wait3A_36 : memref<10240x128xf32, #tpu.memory_space<hbm>>) dst(%arg11 : memref<128x128xf32, #tpu.memory_space<vmem>>)
      "tpu.region"() ({
        %run_scoped3A = tpu.sem_alloc : memref<!tpu.dma_semaphore, #tpu.memory_space<semaphore_mem>>
        %dma_start3A_194 = arith.constant 0 : i32
        %dma_start3A_195 = arith.constant 0 : i32
        %dma_start3A_196 = tpu.memref_slice %arg5[%arg1, %scan3A_26, %dma_start3A_194, %dma_start3A_195] : memref<16x157x128x16xf32, #tpu.memory_space<hbm>> -> memref<1x1x128x16xf32, #tpu.memory_space<hbm>>
        %dma_start3A_197 = tpu.memref_squeeze %dma_start3A_196 : memref<1x1x128x16xf32, #tpu.memory_space<hbm>> -> memref<128x16xf32, #tpu.memory_space<hbm>>
        %dma_start3A_198 = arith.constant 0 : i32
        %dma_start3A_199 = arith.constant 0 : i32
        %dma_start3A_200 = tpu.memref_slice %arg5[%arg1, %scan3A_26, %dma_start3A_198, %dma_start3A_199] : memref<16x157x128x16xf32, #tpu.memory_space<hbm>> -> memref<1x1x128x16xf32, #tpu.memory_space<hbm>>
        %dma_start3A_201 = tpu.memref_squeeze %dma_start3A_200 : memref<1x1x128x16xf32, #tpu.memory_space<hbm>> -> memref<128x16xf32, #tpu.memory_space<hbm>>
        tpu.enqueue_dma source(%dma_start3A_201 : memref<128x16xf32, #tpu.memory_space<hbm>>) target(%arg10 : memref<128x16xf32, #tpu.memory_space<vmem>>) target_semaphore(%run_scoped3A : memref<!tpu.dma_semaphore, #tpu.memory_space<semaphore_mem>>)
        %dma_wait3A_202 = arith.constant 0 : i32
        %dma_wait3A_203 = arith.constant 0 : i32
        %dma_wait3A_204 = tpu.memref_slice %arg5[%arg1, %scan3A_26, %dma_wait3A_202, %dma_wait3A_203] : memref<16x157x128x16xf32, #tpu.memory_space<hbm>> -> memref<1x1x128x16xf32, #tpu.memory_space<hbm>>
        %dma_wait3A_205 = tpu.memref_squeeze %dma_wait3A_204 : memref<1x1x128x16xf32, #tpu.memory_space<hbm>> -> memref<128x16xf32, #tpu.memory_space<hbm>>
        %dma_wait3A_206 = arith.constant 0 : i32
        %dma_wait3A_207 = arith.constant 0 : i32
        %dma_wait3A_208 = tpu.memref_slice %arg5[%arg1, %scan3A_26, %dma_wait3A_206, %dma_wait3A_207] : memref<16x157x128x16xf32, #tpu.memory_space<hbm>> -> memref<1x1x128x16xf32, #tpu.memory_space<hbm>>
        %dma_wait3A_209 = tpu.memref_squeeze %dma_wait3A_208 : memref<1x1x128x16xf32, #tpu.memory_space<hbm>> -> memref<128x16xf32, #tpu.memory_space<hbm>>
        tpu.wait_dma2 semaphore(%run_scoped3A : memref<!tpu.dma_semaphore, #tpu.memory_space<semaphore_mem>>) src(%dma_wait3A_209 : memref<128x16xf32, #tpu.memory_space<hbm>>) dst(%arg10 : memref<128x16xf32, #tpu.memory_space<vmem>>)
        tpu.yield
      }) : () -> ()
      %scan3A_37 = arith.constant 0 : i32
      %scan3A_38 = arith.constant 128 : i32
      %scan3A_39 = arith.addi %scan3A_37, %scan3A_38 : i32
      %scan3A_40 = arith.constant 1 : i32
      scf.for %scan3A_194 = %scan3A_37 to %scan3A_39 step %scan3A_40  : i32 {
        %get3A_195 = arith.index_cast %scan3A_194 : i32 to index
        %get3A_196 = arith.constant 0 : index
        %get3A_197 = tpu.vector_load %arg10[%get3A_195, %get3A_196] {strides = array<i32>} : memref<128x16xf32, #tpu.memory_space<vmem>>, vector<1x16xf32>,
        %get3A_198 = vector.shape_cast %get3A_197 : vector<1x16xf32> to vector<16xf32>
        %get3A_199 = arith.index_cast %scan3A_194 : i32 to index
        %get3A_200 = arith.constant 0 : index
        %get3A_201 = tpu.vector_load %arg11[%get3A_199, %get3A_200] {strides = array<i32>} : memref<128x128xf32, #tpu.memory_space<vmem>>, vector<1x16xf32>,
        %get3A_202 = vector.shape_cast %get3A_201 : vector<1x16xf32> to vector<16xf32>
        %mul3A_203 = arith.mulf %get3A_202, %get3A_198 : vector<16xf32>
        %swap3A_204 = arith.index_cast %scan3A_194 : i32 to index
        %swap3A_205 = arith.constant 0 : index
        %swap3A_206 = tpu.vector_load %arg11[%swap3A_204, %swap3A_205] {strides = array<i32>} : memref<128x128xf32, #tpu.memory_space<vmem>>, vector<1x16xf32>,
        %swap3A_207 = vector.shape_cast %swap3A_206 : vector<1x16xf32> to vector<16xf32>
        %swap3A_208 = vector.shape_cast %mul3A_203 : vector<16xf32> to vector<1x16xf32>
        tpu.vector_store %arg11[%swap3A_204, %swap3A_205], %swap3A_208 {strides = array<i32>} : memref<128x128xf32, #tpu.memory_space<vmem>>, vector<1x16xf32>,
        %get3A_209 = arith.index_cast %scan3A_194 : i32 to index
        %get3A_210 = arith.constant 16 : index
        %get3A_211 = tpu.vector_load %arg11[%get3A_209, %get3A_210] {strides = array<i32>} : memref<128x128xf32, #tpu.memory_space<vmem>>, vector<1x16xf32>,
        %get3A_212 = vector.shape_cast %get3A_211 : vector<1x16xf32> to vector<16xf32>
        %mul3A_213 = arith.mulf %get3A_212, %get3A_198 : vector<16xf32>
        %swap3A_214 = arith.index_cast %scan3A_194 : i32 to index
        %swap3A_215 = arith.constant 16 : index
        %swap3A_216 = tpu.vector_load %arg11[%swap3A_214, %swap3A_215] {strides = array<i32>} : memref<128x128xf32, #tpu.memory_space<vmem>>, vector<1x16xf32>,
        %swap3A_217 = vector.shape_cast %swap3A_216 : vector<1x16xf32> to vector<16xf32>
        %swap3A_218 = vector.shape_cast %mul3A_213 : vector<16xf32> to vector<1x16xf32>
        tpu.vector_store %arg11[%swap3A_214, %swap3A_215], %swap3A_218 {strides = array<i32>} : memref<128x128xf32, #tpu.memory_space<vmem>>, vector<1x16xf32>,
        %get3A_219 = arith.index_cast %scan3A_194 : i32 to index
        %get3A_220 = arith.constant 32 : index
        %get3A_221 = tpu.vector_load %arg11[%get3A_219, %get3A_220] {strides = array<i32>} : memref<128x128xf32, #tpu.memory_space<vmem>>, vector<1x16xf32>,
        %get3A_222 = vector.shape_cast %get3A_221 : vector<1x16xf32> to vector<16xf32>
        %mul3A_223 = arith.mulf %get3A_222, %get3A_198 : vector<16xf32>
        %swap3A_224 = arith.index_cast %scan3A_194 : i32 to index
        %swap3A_225 = arith.constant 32 : index
        %swap3A_226 = tpu.vector_load %arg11[%swap3A_224, %swap3A_225] {strides = array<i32>} : memref<128x128xf32, #tpu.memory_space<vmem>>, vector<1x16xf32>,
        %swap3A_227 = vector.shape_cast %swap3A_226 : vector<1x16xf32> to vector<16xf32>
        %swap3A_228 = vector.shape_cast %mul3A_223 : vector<16xf32> to vector<1x16xf32>
        tpu.vector_store %arg11[%swap3A_224, %swap3A_225], %swap3A_228 {strides = array<i32>} : memref<128x128xf32, #tpu.memory_space<vmem>>, vector<1x16xf32>,
        %get3A_229 = arith.index_cast %scan3A_194 : i32 to index
        %get3A_230 = arith.constant 48 : index
        %get3A_231 = tpu.vector_load %arg11[%get3A_229, %get3A_230] {strides = array<i32>} : memref<128x128xf32, #tpu.memory_space<vmem>>, vector<1x16xf32>,
        %get3A_232 = vector.shape_cast %get3A_231 : vector<1x16xf32> to vector<16xf32>
        %mul3A_233 = arith.mulf %get3A_232, %get3A_198 : vector<16xf32>
        %swap3A_234 = arith.index_cast %scan3A_194 : i32 to index
        %swap3A_235 = arith.constant 48 : index
        %swap3A_236 = tpu.vector_load %arg11[%swap3A_234, %swap3A_235] {strides = array<i32>} : memref<128x128xf32, #tpu.memory_space<vmem>>, vector<1x16xf32>,
        %swap3A_237 = vector.shape_cast %swap3A_236 : vector<1x16xf32> to vector<16xf32>
        %swap3A_238 = vector.shape_cast %mul3A_233 : vector<16xf32> to vector<1x16xf32>
        tpu.vector_store %arg11[%swap3A_234, %swap3A_235], %swap3A_238 {strides = array<i32>} : memref<128x128xf32, #tpu.memory_space<vmem>>, vector<1x16xf32>,
        %get3A_239 = arith.index_cast %scan3A_194 : i32 to index
        %get3A_240 = arith.constant 64 : index
        %get3A_241 = tpu.vector_load %arg11[%get3A_239, %get3A_240] {strides = array<i32>} : memref<128x128xf32, #tpu.memory_space<vmem>>, vector<1x16xf32>,
        %get3A_242 = vector.shape_cast %get3A_241 : vector<1x16xf32> to vector<16xf32>
        %mul3A_243 = arith.mulf %get3A_242, %get3A_198 : vector<16xf32>
        %swap3A_244 = arith.index_cast %scan3A_194 : i32 to index
        %swap3A_245 = arith.constant 64 : index
        %swap3A_246 = tpu.vector_load %arg11[%swap3A_244, %swap3A_245] {strides = array<i32>} : memref<128x128xf32, #tpu.memory_space<vmem>>, vector<1x16xf32>,
        %swap3A_247 = vector.shape_cast %swap3A_246 : vector<1x16xf32> to vector<16xf32>
        %swap3A_248 = vector.shape_cast %mul3A_243 : vector<16xf32> to vector<1x16xf32>
        tpu.vector_store %arg11[%swap3A_244, %swap3A_245], %swap3A_248 {strides = array<i32>} : memref<128x128xf32, #tpu.memory_space<vmem>>, vector<1x16xf32>,
        %get3A_249 = arith.index_cast %scan3A_194 : i32 to index
        %get3A_250 = arith.constant 80 : index
        %get3A_251 = tpu.vector_load %arg11[%get3A_249, %get3A_250] {strides = array<i32>} : memref<128x128xf32, #tpu.memory_space<vmem>>, vector<1x16xf32>,
        %get3A_252 = vector.shape_cast %get3A_251 : vector<1x16xf32> to vector<16xf32>
        %mul3A_253 = arith.mulf %get3A_252, %get3A_198 : vector<16xf32>
        %swap3A_254 = arith.index_cast %scan3A_194 : i32 to index
        %swap3A_255 = arith.constant 80 : index
        %swap3A_256 = tpu.vector_load %arg11[%swap3A_254, %swap3A_255] {strides = array<i32>} : memref<128x128xf32, #tpu.memory_space<vmem>>, vector<1x16xf32>,
        %swap3A_257 = vector.shape_cast %swap3A_256 : vector<1x16xf32> to vector<16xf32>
        %swap3A_258 = vector.shape_cast %mul3A_253 : vector<16xf32> to vector<1x16xf32>
        tpu.vector_store %arg11[%swap3A_254, %swap3A_255], %swap3A_258 {strides = array<i32>} : memref<128x128xf32, #tpu.memory_space<vmem>>, vector<1x16xf32>,
        %get3A_259 = arith.index_cast %scan3A_194 : i32 to index
        %get3A_260 = arith.constant 96 : index
        %get3A_261 = tpu.vector_load %arg11[%get3A_259, %get3A_260] {strides = array<i32>} : memref<128x128xf32, #tpu.memory_space<vmem>>, vector<1x16xf32>,
        %get3A_262 = vector.shape_cast %get3A_261 : vector<1x16xf32> to vector<16xf32>
        %mul3A_263 = arith.mulf %get3A_262, %get3A_198 : vector<16xf32>
        %swap3A_264 = arith.index_cast %scan3A_194 : i32 to index
        %swap3A_265 = arith.constant 96 : index
        %swap3A_266 = tpu.vector_load %arg11[%swap3A_264, %swap3A_265] {strides = array<i32>} : memref<128x128xf32, #tpu.memory_space<vmem>>, vector<1x16xf32>,
        %swap3A_267 = vector.shape_cast %swap3A_266 : vector<1x16xf32> to vector<16xf32>
        %swap3A_268 = vector.shape_cast %mul3A_263 : vector<16xf32> to vector<1x16xf32>
        tpu.vector_store %arg11[%swap3A_264, %swap3A_265], %swap3A_268 {strides = array<i32>} : memref<128x128xf32, #tpu.memory_space<vmem>>, vector<1x16xf32>,
        %get3A_269 = arith.index_cast %scan3A_194 : i32 to index
        %get3A_270 = arith.constant 112 : index
        %get3A_271 = tpu.vector_load %arg11[%get3A_269, %get3A_270] {strides = array<i32>} : memref<128x128xf32, #tpu.memory_space<vmem>>, vector<1x16xf32>,
        %get3A_272 = vector.shape_cast %get3A_271 : vector<1x16xf32> to vector<16xf32>
        %mul3A_273 = arith.mulf %get3A_272, %get3A_198 : vector<16xf32>
        %swap3A_274 = arith.index_cast %scan3A_194 : i32 to index
        %swap3A_275 = arith.constant 112 : index
        %swap3A_276 = tpu.vector_load %arg11[%swap3A_274, %swap3A_275] {strides = array<i32>} : memref<128x128xf32, #tpu.memory_space<vmem>>, vector<1x16xf32>,
        %swap3A_277 = vector.shape_cast %swap3A_276 : vector<1x16xf32> to vector<16xf32>
        %swap3A_278 = vector.shape_cast %mul3A_273 : vector<16xf32> to vector<1x16xf32>
        tpu.vector_store %arg11[%swap3A_274, %swap3A_275], %swap3A_278 {strides = array<i32>} : memref<128x128xf32, #tpu.memory_space<vmem>>, vector<1x16xf32>,
      }
      %scan3A_41 = arith.constant 128 : i32
      %get3A = arith.index_cast %scan3A_26 : i32 to index
      %get3A_42 = arith.constant 0 : index
      %get3A_43 = tpu.vector_load %arg8[%get3A, %get3A_42] {strides = array<i32>} : memref<157x128xi32, #tpu.memory_space<vmem>>, vector<1x16xi32>,
      %get3A_44 = vector.shape_cast %get3A_43 : vector<1x16xi32> to vector<16xi32>
      %sub3A = vector.broadcast %mul3A_0 : i32 to vector<16xi32>
      %sub3A_45 = arith.subi %get3A_44, %sub3A : vector<16xi32>
      %ge3A = arith.constant 0 : i32
      %ge3A_46 = vector.broadcast %ge3A : i32 to vector<16xi32>
      %ge3A_47 = arith.cmpi sge, %sub3A_45, %ge3A_46 : vector<16xi32>
      %lt3A = arith.constant 5120 : i32
      %lt3A_48 = vector.broadcast %lt3A : i32 to vector<16xi32>
      %lt3A_49 = arith.cmpi slt, %sub3A_45, %lt3A_48 : vector<16xi32>
      %and3A = arith.andi %ge3A_47, %lt3A_49 : vector<16xi1>
      %jit3A = arith.constant 5120 : i32
      %broadcast_in_dim3A_50 = vector.broadcast %jit3A : i32 to vector<16xi32>
      %select_n3A = arith.select %and3A, %sub3A_45, %broadcast_in_dim3A_50 : vector<16xi1>, vector<16xi32>
      %swap3A = arith.constant 0 : index
      %swap3A_51 = tpu.vector_load %arg9[%swap3A] {strides = array<i32>} : memref<128xi32, #tpu.memory_space<vmem>>, vector<16xi32>,
      %swap3A_52 = vector.shape_cast %swap3A_51 : vector<16xi32> to vector<16xi32>
      %swap3A_53 = vector.shape_cast %select_n3A : vector<16xi32> to vector<16xi32>
      tpu.vector_store %arg9[%swap3A], %swap3A_53 {strides = array<i32>} : memref<128xi32, #tpu.memory_space<vmem>>, vector<16xi32>,
      %get3A_54 = arith.index_cast %scan3A_26 : i32 to index
      %get3A_55 = arith.constant 16 : index
      %get3A_56 = tpu.vector_load %arg8[%get3A_54, %get3A_55] {strides = array<i32>} : memref<157x128xi32, #tpu.memory_space<vmem>>, vector<1x16xi32>,
      %get3A_57 = vector.shape_cast %get3A_56 : vector<1x16xi32> to vector<16xi32>
      %sub3A_58 = vector.broadcast %mul3A_0 : i32 to vector<16xi32>
      %sub3A_59 = arith.subi %get3A_57, %sub3A_58 : vector<16xi32>
      %ge3A_60 = arith.constant 0 : i32
      %ge3A_61 = vector.broadcast %ge3A_60 : i32 to vector<16xi32>
      %ge3A_62 = arith.cmpi sge, %sub3A_59, %ge3A_61 : vector<16xi32>
      %lt3A_63 = arith.constant 5120 : i32
      %lt3A_64 = vector.broadcast %lt3A_63 : i32 to vector<16xi32>
      %lt3A_65 = arith.cmpi slt, %sub3A_59, %lt3A_64 : vector<16xi32>
      %and3A_66 = arith.andi %ge3A_62, %lt3A_65 : vector<16xi1>
      %jit3A_67 = arith.constant 5120 : i32
      %broadcast_in_dim3A_68 = vector.broadcast %jit3A_67 : i32 to vector<16xi32>
      %select_n3A_69 = arith.select %and3A_66, %sub3A_59, %broadcast_in_dim3A_68 : vector<16xi1>, vector<16xi32>
      %swap3A_70 = arith.constant 16 : index
      %swap3A_71 = tpu.vector_load %arg9[%swap3A_70] {strides = array<i32>} : memref<128xi32, #tpu.memory_space<vmem>>, vector<16xi32>,
      %swap3A_72 = vector.shape_cast %swap3A_71 : vector<16xi32> to vector<16xi32>
      %swap3A_73 = vector.shape_cast %select_n3A_69 : vector<16xi32> to vector<16xi32>
      tpu.vector_store %arg9[%swap3A_70], %swap3A_73 {strides = array<i32>} : memref<128xi32, #tpu.memory_space<vmem>>, vector<16xi32>,
      %get3A_74 = arith.index_cast %scan3A_26 : i32 to index
      %get3A_75 = arith.constant 32 : index
      %get3A_76 = tpu.vector_load %arg8[%get3A_74, %get3A_75] {strides = array<i32>} : memref<157x128xi32, #tpu.memory_space<vmem>>, vector<1x16xi32>,
      %get3A_77 = vector.shape_cast %get3A_76 : vector<1x16xi32> to vector<16xi32>
      %sub3A_78 = vector.broadcast %mul3A_0 : i32 to vector<16xi32>
      %sub3A_79 = arith.subi %get3A_77, %sub3A_78 : vector<16xi32>
      %ge3A_80 = arith.constant 0 : i32
      %ge3A_81 = vector.broadcast %ge3A_80 : i32 to vector<16xi32>
      %ge3A_82 = arith.cmpi sge, %sub3A_79, %ge3A_81 : vector<16xi32>
      %lt3A_83 = arith.constant 5120 : i32
      %lt3A_84 = vector.broadcast %lt3A_83 : i32 to vector<16xi32>
      %lt3A_85 = arith.cmpi slt, %sub3A_79, %lt3A_84 : vector<16xi32>
      %and3A_86 = arith.andi %ge3A_82, %lt3A_85 : vector<16xi1>
      %jit3A_87 = arith.constant 5120 : i32
      %broadcast_in_dim3A_88 = vector.broadcast %jit3A_87 : i32 to vector<16xi32>
      %select_n3A_89 = arith.select %and3A_86, %sub3A_79, %broadcast_in_dim3A_88 : vector<16xi1>, vector<16xi32>
      %swap3A_90 = arith.constant 32 : index
      %swap3A_91 = tpu.vector_load %arg9[%swap3A_90] {strides = array<i32>} : memref<128xi32, #tpu.memory_space<vmem>>, vector<16xi32>,
      %swap3A_92 = vector.shape_cast %swap3A_91 : vector<16xi32> to vector<16xi32>
      %swap3A_93 = vector.shape_cast %select_n3A_89 : vector<16xi32> to vector<16xi32>
      tpu.vector_store %arg9[%swap3A_90], %swap3A_93 {strides = array<i32>} : memref<128xi32, #tpu.memory_space<vmem>>, vector<16xi32>,
      %get3A_94 = arith.index_cast %scan3A_26 : i32 to index
      %get3A_95 = arith.constant 48 : index
      %get3A_96 = tpu.vector_load %arg8[%get3A_94, %get3A_95] {strides = array<i32>} : memref<157x128xi32, #tpu.memory_space<vmem>>, vector<1x16xi32>,
      %get3A_97 = vector.shape_cast %get3A_96 : vector<1x16xi32> to vector<16xi32>
      %sub3A_98 = vector.broadcast %mul3A_0 : i32 to vector<16xi32>
      %sub3A_99 = arith.subi %get3A_97, %sub3A_98 : vector<16xi32>
      %ge3A_100 = arith.constant 0 : i32
      %ge3A_101 = vector.broadcast %ge3A_100 : i32 to vector<16xi32>
      %ge3A_102 = arith.cmpi sge, %sub3A_99, %ge3A_101 : vector<16xi32>
      %lt3A_103 = arith.constant 5120 : i32
      %lt3A_104 = vector.broadcast %lt3A_103 : i32 to vector<16xi32>
      %lt3A_105 = arith.cmpi slt, %sub3A_99, %lt3A_104 : vector<16xi32>
      %and3A_106 = arith.andi %ge3A_102, %lt3A_105 : vector<16xi1>
      %jit3A_107 = arith.constant 5120 : i32
      %broadcast_in_dim3A_108 = vector.broadcast %jit3A_107 : i32 to vector<16xi32>
      %select_n3A_109 = arith.select %and3A_106, %sub3A_99, %broadcast_in_dim3A_108 : vector<16xi1>, vector<16xi32>
      %swap3A_110 = arith.constant 48 : index
      %swap3A_111 = tpu.vector_load %arg9[%swap3A_110] {strides = array<i32>} : memref<128xi32, #tpu.memory_space<vmem>>, vector<16xi32>,
      %swap3A_112 = vector.shape_cast %swap3A_111 : vector<16xi32> to vector<16xi32>
      %swap3A_113 = vector.shape_cast %select_n3A_109 : vector<16xi32> to vector<16xi32>
      tpu.vector_store %arg9[%swap3A_110], %swap3A_113 {strides = array<i32>} : memref<128xi32, #tpu.memory_space<vmem>>, vector<16xi32>,
      %get3A_114 = arith.index_cast %scan3A_26 : i32 to index
      %get3A_115 = arith.constant 64 : index
      %get3A_116 = tpu.vector_load %arg8[%get3A_114, %get3A_115] {strides = array<i32>} : memref<157x128xi32, #tpu.memory_space<vmem>>, vector<1x16xi32>,
      %get3A_117 = vector.shape_cast %get3A_116 : vector<1x16xi32> to vector<16xi32>
      %sub3A_118 = vector.broadcast %mul3A_0 : i32 to vector<16xi32>
      %sub3A_119 = arith.subi %get3A_117, %sub3A_118 : vector<16xi32>
      %ge3A_120 = arith.constant 0 : i32
      %ge3A_121 = vector.broadcast %ge3A_120 : i32 to vector<16xi32>
      %ge3A_122 = arith.cmpi sge, %sub3A_119, %ge3A_121 : vector<16xi32>
      %lt3A_123 = arith.constant 5120 : i32
      %lt3A_124 = vector.broadcast %lt3A_123 : i32 to vector<16xi32>
      %lt3A_125 = arith.cmpi slt, %sub3A_119, %lt3A_124 : vector<16xi32>
      %and3A_126 = arith.andi %ge3A_122, %lt3A_125 : vector<16xi1>
      %jit3A_127 = arith.constant 5120 : i32
      %broadcast_in_dim3A_128 = vector.broadcast %jit3A_127 : i32 to vector<16xi32>
      %select_n3A_129 = arith.select %and3A_126, %sub3A_119, %broadcast_in_dim3A_128 : vector<16xi1>, vector<16xi32>
      %swap3A_130 = arith.constant 64 : index
      %swap3A_131 = tpu.vector_load %arg9[%swap3A_130] {strides = array<i32>} : memref<128xi32, #tpu.memory_space<vmem>>, vector<16xi32>,
      %swap3A_132 = vector.shape_cast %swap3A_131 : vector<16xi32> to vector<16xi32>
      %swap3A_133 = vector.shape_cast %select_n3A_129 : vector<16xi32> to vector<16xi32>
      tpu.vector_store %arg9[%swap3A_130], %swap3A_133 {strides = array<i32>} : memref<128xi32, #tpu.memory_space<vmem>>, vector<16xi32>,
      %get3A_134 = arith.index_cast %scan3A_26 : i32 to index
      %get3A_135 = arith.constant 80 : index
      %get3A_136 = tpu.vector_load %arg8[%get3A_134, %get3A_135] {strides = array<i32>} : memref<157x128xi32, #tpu.memory_space<vmem>>, vector<1x16xi32>,
      %get3A_137 = vector.shape_cast %get3A_136 : vector<1x16xi32> to vector<16xi32>
      %sub3A_138 = vector.broadcast %mul3A_0 : i32 to vector<16xi32>
      %sub3A_139 = arith.subi %get3A_137, %sub3A_138 : vector<16xi32>
      %ge3A_140 = arith.constant 0 : i32
      %ge3A_141 = vector.broadcast %ge3A_140 : i32 to vector<16xi32>
      %ge3A_142 = arith.cmpi sge, %sub3A_139, %ge3A_141 : vector<16xi32>
      %lt3A_143 = arith.constant 5120 : i32
      %lt3A_144 = vector.broadcast %lt3A_143 : i32 to vector<16xi32>
      %lt3A_145 = arith.cmpi slt, %sub3A_139, %lt3A_144 : vector<16xi32>
      %and3A_146 = arith.andi %ge3A_142, %lt3A_145 : vector<16xi1>
      %jit3A_147 = arith.constant 5120 : i32
      %broadcast_in_dim3A_148 = vector.broadcast %jit3A_147 : i32 to vector<16xi32>
      %select_n3A_149 = arith.select %and3A_146, %sub3A_139, %broadcast_in_dim3A_148 : vector<16xi1>, vector<16xi32>
      %swap3A_150 = arith.constant 80 : index
      %swap3A_151 = tpu.vector_load %arg9[%swap3A_150] {strides = array<i32>} : memref<128xi32, #tpu.memory_space<vmem>>, vector<16xi32>,
      %swap3A_152 = vector.shape_cast %swap3A_151 : vector<16xi32> to vector<16xi32>
      %swap3A_153 = vector.shape_cast %select_n3A_149 : vector<16xi32> to vector<16xi32>
      tpu.vector_store %arg9[%swap3A_150], %swap3A_153 {strides = array<i32>} : memref<128xi32, #tpu.memory_space<vmem>>, vector<16xi32>,
      %get3A_154 = arith.index_cast %scan3A_26 : i32 to index
      %get3A_155 = arith.constant 96 : index
      %get3A_156 = tpu.vector_load %arg8[%get3A_154, %get3A_155] {strides = array<i32>} : memref<157x128xi32, #tpu.memory_space<vmem>>, vector<1x16xi32>,
      %get3A_157 = vector.shape_cast %get3A_156 : vector<1x16xi32> to vector<16xi32>
      %sub3A_158 = vector.broadcast %mul3A_0 : i32 to vector<16xi32>
      %sub3A_159 = arith.subi %get3A_157, %sub3A_158 : vector<16xi32>
      %ge3A_160 = arith.constant 0 : i32
      %ge3A_161 = vector.broadcast %ge3A_160 : i32 to vector<16xi32>
      %ge3A_162 = arith.cmpi sge, %sub3A_159, %ge3A_161 : vector<16xi32>
      %lt3A_163 = arith.constant 5120 : i32
      %lt3A_164 = vector.broadcast %lt3A_163 : i32 to vector<16xi32>
      %lt3A_165 = arith.cmpi slt, %sub3A_159, %lt3A_164 : vector<16xi32>
      %and3A_166 = arith.andi %ge3A_162, %lt3A_165 : vector<16xi1>
      %jit3A_167 = arith.constant 5120 : i32
      %broadcast_in_dim3A_168 = vector.broadcast %jit3A_167 : i32 to vector<16xi32>
      %select_n3A_169 = arith.select %and3A_166, %sub3A_159, %broadcast_in_dim3A_168 : vector<16xi1>, vector<16xi32>
      %swap3A_170 = arith.constant 96 : index
      %swap3A_171 = tpu.vector_load %arg9[%swap3A_170] {strides = array<i32>} : memref<128xi32, #tpu.memory_space<vmem>>, vector<16xi32>,
      %swap3A_172 = vector.shape_cast %swap3A_171 : vector<16xi32> to vector<16xi32>
      %swap3A_173 = vector.shape_cast %select_n3A_169 : vector<16xi32> to vector<16xi32>
      tpu.vector_store %arg9[%swap3A_170], %swap3A_173 {strides = array<i32>} : memref<128xi32, #tpu.memory_space<vmem>>, vector<16xi32>,
      %get3A_174 = arith.index_cast %scan3A_26 : i32 to index
      %get3A_175 = arith.constant 112 : index
      %get3A_176 = tpu.vector_load %arg8[%get3A_174, %get3A_175] {strides = array<i32>} : memref<157x128xi32, #tpu.memory_space<vmem>>, vector<1x16xi32>,
      %get3A_177 = vector.shape_cast %get3A_176 : vector<1x16xi32> to vector<16xi32>
      %sub3A_178 = vector.broadcast %mul3A_0 : i32 to vector<16xi32>
      %sub3A_179 = arith.subi %get3A_177, %sub3A_178 : vector<16xi32>
      %ge3A_180 = arith.constant 0 : i32
      %ge3A_181 = vector.broadcast %ge3A_180 : i32 to vector<16xi32>
      %ge3A_182 = arith.cmpi sge, %sub3A_179, %ge3A_181 : vector<16xi32>
      %lt3A_183 = arith.constant 5120 : i32
      %lt3A_184 = vector.broadcast %lt3A_183 : i32 to vector<16xi32>
      %lt3A_185 = arith.cmpi slt, %sub3A_179, %lt3A_184 : vector<16xi32>
      %and3A_186 = arith.andi %ge3A_182, %lt3A_185 : vector<16xi1>
      %jit3A_187 = arith.constant 5120 : i32
      %broadcast_in_dim3A_188 = vector.broadcast %jit3A_187 : i32 to vector<16xi32>
      %select_n3A_189 = arith.select %and3A_186, %sub3A_179, %broadcast_in_dim3A_188 : vector<16xi1>, vector<16xi32>
      %swap3A_190 = arith.constant 112 : index
      %swap3A_191 = tpu.vector_load %arg9[%swap3A_190] {strides = array<i32>} : memref<128xi32, #tpu.memory_space<vmem>>, vector<16xi32>,
      %swap3A_192 = vector.shape_cast %swap3A_191 : vector<16xi32> to vector<16xi32>
      %swap3A_193 = vector.shape_cast %select_n3A_189 : vector<16xi32> to vector<16xi32>
      tpu.vector_store %arg9[%swap3A_190], %swap3A_193 {strides = array<i32>} : memref<128xi32, #tpu.memory_space<vmem>>, vector<16xi32>,
      "tpu.region"() ({
        %run_scoped3A = tpu.sem_alloc : memref<!tpu.dma_semaphore, #tpu.memory_space<semaphore_mem>>
        %dma_start3A_194 = arith.constant 0 : i32
        %dma_start3A_195 = arith.constant 0 : i32
        %dma_start3A_196 = tpu.memref_slice %arg13[%dma_start3A_194, %dma_start3A_195] : memref<5136x128xf32, #tpu.memory_space<vmem_shared>> -> memref<5136x128xf32, #tpu.memory_space<vmem_shared>>
        tpu.enqueue_indirect_dma source(%arg11 : memref<128x128xf32, #tpu.memory_space<vmem>>) target(%dma_start3A_196 : memref<5136x128xf32, #tpu.memory_space<vmem_shared>>) offsets(%arg9 : memref<128xi32, #tpu.memory_space<vmem>>) semaphore(%run_scoped3A : memref<!tpu.dma_semaphore, #tpu.memory_space<semaphore_mem>>) {add = true}
        %dma_wait3A_197 = arith.constant 0 : i32
        %dma_wait3A_198 = arith.constant 0 : i32
        %dma_wait3A_199 = tpu.memref_slice %arg13[%dma_wait3A_197, %dma_wait3A_198] : memref<5136x128xf32, #tpu.memory_space<vmem_shared>> -> memref<5136x128xf32, #tpu.memory_space<vmem_shared>>
        tpu.wait_indirect_dma semaphore(%run_scoped3A : memref<!tpu.dma_semaphore, #tpu.memory_space<semaphore_mem>>) src(%arg11 : memref<128x128xf32, #tpu.memory_space<vmem>>) dst(%dma_wait3A_199 : memref<5136x128xf32, #tpu.memory_space<vmem_shared>>)
        tpu.yield
      }) : () -> ()
    }
    %scan3A_19 = arith.constant 157 : i32
    %barrier3A_20 = arith.constant 0 : index
    tpu.barrier barrier_id(%barrier3A_20)
    %mul3A_21 = arith.constant 320 : i32
    %mul3A_22 = arith.muli %arg1, %mul3A_21 : i32
    %mul3A_23 = arith.constant 320 : i32
    %mul3A_24 = arith.muli %arg1, %mul3A_23 : i32
    %add3A_25 = arith.addi %mul3A_0, %mul3A_24 : i32
    "tpu.region"() ({
      %run_scoped3A = tpu.sem_alloc : memref<!tpu.dma_semaphore, #tpu.memory_space<semaphore_mem>>
      %dma_start3A = arith.constant 0 : i32
      %dma_start3A_26 = tpu.memref_slice %arg6[%add3A_25, %dma_start3A] : memref<10240x128xf32, #tpu.memory_space<hbm>> -> memref<320x128xf32, #tpu.memory_space<hbm>>
      %dma_start3A_27 = arith.constant 0 : i32
      %dma_start3A_28 = tpu.memref_slice %arg13[%mul3A_22, %dma_start3A_27] : memref<5136x128xf32, #tpu.memory_space<vmem_shared>> -> memref<320x128xf32, #tpu.memory_space<vmem_shared>>
      tpu.enqueue_dma source(%dma_start3A_28 : memref<320x128xf32, #tpu.memory_space<vmem_shared>>) target(%dma_start3A_26 : memref<320x128xf32, #tpu.memory_space<hbm>>) target_semaphore(%run_scoped3A : memref<!tpu.dma_semaphore, #tpu.memory_space<semaphore_mem>>)
      %dma_wait3A = arith.constant 0 : i32
      %dma_wait3A_29 = tpu.memref_slice %arg6[%add3A_25, %dma_wait3A] : memref<10240x128xf32, #tpu.memory_space<hbm>> -> memref<320x128xf32, #tpu.memory_space<hbm>>
      %dma_wait3A_30 = arith.constant 0 : i32
      %dma_wait3A_31 = tpu.memref_slice %arg13[%mul3A_22, %dma_wait3A_30] : memref<5136x128xf32, #tpu.memory_space<vmem_shared>> -> memref<320x128xf32, #tpu.memory_space<vmem_shared>>
      tpu.wait_dma2 semaphore(%run_scoped3A : memref<!tpu.dma_semaphore, #tpu.memory_space<semaphore_mem>>) src(%dma_wait3A_31 : memref<320x128xf32, #tpu.memory_space<vmem_shared>>) dst(%dma_wait3A_29 : memref<320x128xf32, #tpu.memory_space<hbm>>)
      tpu.yield
    }) : () -> ()
    return
  }
}

module attributes {stable_mosaic.version = 14 : i64} {
  func.func @_tc1_body(%arg0: i32, %arg1: memref<1024x128xf32, #tpu.memory_space<vmem>>, %arg2: memref<128x128xf32, #tpu.memory_space<vmem>>, %arg3: memref<1024xf32, #tpu.memory_space<vmem>>, %arg4: memref<1024xf32, #tpu.memory_space<vmem>>, %arg5: memref<1024x128xf32, #tpu.memory_space<vmem>>, %arg6: memref<1024x128xf32, #tpu.memory_space<vmem>>, %arg7: memref<1024xf32, #tpu.memory_space<vmem>>) attributes {dimension_semantics = [#tpu.dimension_semantics<arbitrary>], iteration_bounds = array<i64: 10>, scalar_prefetch = 0 : i64, scratch_operands = 0 : i64, tpu.core_type = #tpu.core_type<tc>, window_params = [{transform_indices = @transform_0, window_bounds = array<i64: 1024, 128>}, {pipeline_mode = #tpu.pipeline_mode<synchronous>, transform_indices = @transform_1, window_bounds = array<i64: 128, 128>}, {transform_indices = @transform_2, window_bounds = array<i64: 1024>}, {transform_indices = @transform_3, window_bounds = array<i64: 1024>}, {transform_indices = @transform_4, window_bounds = array<i64: 1024, 128>}, {transform_indices = @transform_5, window_bounds = array<i64: 1024, 128>}, {transform_indices = @transform_6, window_bounds = array<i64: 1024>}]} {
    %get3A = arith.constant 0 : index
    %get3A_0 = vector.load %arg3[%get3A] : memref<1024xf32, #tpu.memory_space<vmem>>, vector<1024xf32>
    %get3A_1 = arith.constant 0 : index
    %get3A_2 = vector.load %arg4[%get3A_1] : memref<1024xf32, #tpu.memory_space<vmem>>, vector<1024xf32>
    %add3A = arith.addf %get3A_0, %get3A_2 : vector<1024xf32>
    %add3A_3 = arith.constant 1.000000e+00 : f32
    %add3A_4 = vector.broadcast %add3A_3 : f32 to vector<1024xf32>
    %add3A_5 = arith.addf %add3A, %add3A_4 : vector<1024xf32>
    %rsqrt3A = math.rsqrt %add3A_5 : vector<1024xf32>
    %get3A_6 = arith.constant 0 : index
    %get3A_7 = arith.constant 0 : index
    %get3A_8 = vector.load %arg1[%get3A_6, %get3A_7] : memref<1024x128xf32, #tpu.memory_space<vmem>>, vector<1024x128xf32>
    %get3A_9 = arith.constant 0 : index
    %get3A_10 = arith.constant 0 : index
    %get3A_11 = vector.load %arg2[%get3A_9, %get3A_10] : memref<128x128xf32, #tpu.memory_space<vmem>>, vector<128x128xf32>
    %dot_general3A = arith.constant dense<0.000000e+00> : vector<1024x128xf32>
    %dot_general3A_12 = tpu.matmul %get3A_8, %get3A_11, %dot_general3A {dimension_numbers = #tpu.dot_dimension_numbers<[1], [0], [0], [1], [0, 0, 1, 1], [], []>, transpose_lhs_hint = false} : vector<1024x128xf32>, vector<128x128xf32>, vector<1024x128xf32> -> vector<1024x128xf32>
    %swap3A = arith.constant 0 : index
    %swap3A_13 = arith.constant 0 : index
    %swap3A_14 = vector.load %arg5[%swap3A, %swap3A_13] : memref<1024x128xf32, #tpu.memory_space<vmem>>, vector<1024x128xf32>
    tpu.vector_store %arg5[%swap3A, %swap3A_13], %dot_general3A_12 {strides = array<i32>} : memref<1024x128xf32, #tpu.memory_space<vmem>>, vector<1024x128xf32>,
    %broadcast_in_dim3A = vector.shape_cast %rsqrt3A : vector<1024xf32> to vector<1024x1xf32>
    %mul3A = vector.broadcast %broadcast_in_dim3A : vector<1024x1xf32> to vector<1024x128xf32>
    %mul3A_15 = arith.mulf %dot_general3A_12, %mul3A : vector<1024x128xf32>
    %swap3A_16 = arith.constant 0 : index
    %swap3A_17 = arith.constant 0 : index
    %swap3A_18 = vector.load %arg6[%swap3A_16, %swap3A_17] : memref<1024x128xf32, #tpu.memory_space<vmem>>, vector<1024x128xf32>
    tpu.vector_store %arg6[%swap3A_16, %swap3A_17], %mul3A_15 {strides = array<i32>} : memref<1024x128xf32, #tpu.memory_space<vmem>>, vector<1024x128xf32>,
    %swap3A_19 = arith.constant 0 : index
    %swap3A_20 = vector.load %arg7[%swap3A_19] : memref<1024xf32, #tpu.memory_space<vmem>>, vector<1024xf32>
    tpu.vector_store %arg7[%swap3A_19], %rsqrt3A {strides = array<i32>} : memref<1024xf32, #tpu.memory_space<vmem>>, vector<1024xf32>,
    return
  }
  func.func @transform_0(%arg0: i32) -> (i32, i32) {
    %c0_i32 = arith.constant 0 : i32
    %c0_i32_0 = arith.constant 0 : i32
    return %arg0, %c0_i32 : i32, i32
  }
  func.func @transform_1(%arg0: i32) -> (i32, i32) {
    %c0_i32 = arith.constant 0 : i32
    %c0_i32_0 = arith.constant 0 : i32
    %c0_i32_1 = arith.constant 0 : i32
    return %c0_i32, %c0_i32_0 : i32, i32
  }
  func.func @transform_2(%arg0: i32) -> i32 {
    %c0_i32 = arith.constant 0 : i32
    return %arg0 : i32
  }
  func.func @transform_3(%arg0: i32) -> i32 {
    %c0_i32 = arith.constant 0 : i32
    return %arg0 : i32
  }
  func.func @transform_4(%arg0: i32) -> (i32, i32) {
    %c0_i32 = arith.constant 0 : i32
    %c0_i32_0 = arith.constant 0 : i32
    return %arg0, %c0_i32 : i32, i32
  }
  func.func @transform_5(%arg0: i32) -> (i32, i32) {
    %c0_i32 = arith.constant 0 : i32
    %c0_i32_0 = arith.constant 0 : i32
    return %arg0, %c0_i32 : i32, i32
  }
  func.func @transform_6(%arg0: i32) -> i32 {
    %c0_i32 = arith.constant 0 : i32
    return %arg0 : i32
  }
}

module attributes {stable_mosaic.version = 14 : i64} {
  func.func @_tc2_body(%arg0: i32, %arg1: memref<1024x128xf32, #tpu.memory_space<vmem>>, %arg2: memref<1024x128xf32, #tpu.memory_space<vmem>>, %arg3: memref<1024xf32, #tpu.memory_space<vmem>>, %arg4: memref<128xf32, #tpu.memory_space<vmem>>, %arg5: memref<128x128xf32, #tpu.memory_space<vmem>>, %arg6: memref<1024x128xf32, #tpu.memory_space<vmem>>, %arg7: memref<1024x128xf32, #tpu.memory_space<vmem>>) attributes {dimension_semantics = [#tpu.dimension_semantics<arbitrary>], iteration_bounds = array<i64: 10>, scalar_prefetch = 0 : i64, scratch_operands = 0 : i64, tpu.core_type = #tpu.core_type<tc>, window_params = [{transform_indices = @transform_0, window_bounds = array<i64: 1024, 128>}, {transform_indices = @transform_1, window_bounds = array<i64: 1024, 128>}, {transform_indices = @transform_2, window_bounds = array<i64: 1024>}, {pipeline_mode = #tpu.pipeline_mode<synchronous>, transform_indices = @transform_3, window_bounds = array<i64: 128>}, {pipeline_mode = #tpu.pipeline_mode<synchronous>, transform_indices = @transform_4, window_bounds = array<i64: 128, 128>}, {transform_indices = @transform_5, window_bounds = array<i64: 1024, 128>}, {transform_indices = @transform_6, window_bounds = array<i64: 1024, 128>}]} {
    %get3A = arith.constant 0 : index
    %get3A_0 = vector.load %arg3[%get3A] : memref<1024xf32, #tpu.memory_space<vmem>>, vector<1024xf32>
    %get3A_1 = arith.constant 0 : index
    %get3A_2 = arith.constant 0 : index
    %get3A_3 = vector.load %arg1[%get3A_1, %get3A_2] : memref<1024x128xf32, #tpu.memory_space<vmem>>, vector<1024x128xf32>
    %broadcast_in_dim3A = vector.shape_cast %get3A_0 : vector<1024xf32> to vector<1024x1xf32>
    %mul3A = vector.broadcast %broadcast_in_dim3A : vector<1024x1xf32> to vector<1024x128xf32>
    %mul3A_4 = arith.mulf %get3A_3, %mul3A : vector<1024x128xf32>
    %get3A_5 = arith.constant 0 : index
    %get3A_6 = arith.constant 0 : index
    %get3A_7 = vector.load %arg2[%get3A_5, %get3A_6] : memref<1024x128xf32, #tpu.memory_space<vmem>>, vector<1024x128xf32>
    %mul3A_8 = arith.mulf %get3A_0, %get3A_0 : vector<1024xf32>
    %broadcast_in_dim3A_9 = vector.shape_cast %mul3A_8 : vector<1024xf32> to vector<1024x1xf32>
    %mul3A_10 = vector.broadcast %broadcast_in_dim3A_9 : vector<1024x1xf32> to vector<1024x128xf32>
    %mul3A_11 = arith.mulf %get3A_7, %mul3A_10 : vector<1024x128xf32>
    %add3A = arith.addf %mul3A_4, %mul3A_11 : vector<1024x128xf32>
    %get3A_12 = arith.constant 0 : index
    %get3A_13 = vector.load %arg4[%get3A_12] : memref<128xf32, #tpu.memory_space<vmem>>, vector<128xf32>
    %broadcast_in_dim3A_14 = vector.shape_cast %get3A_13 : vector<128xf32> to vector<1x128xf32>
    %add3A_15 = vector.broadcast %broadcast_in_dim3A_14 : vector<1x128xf32> to vector<1024x128xf32>
    %add3A_16 = arith.addf %add3A, %add3A_15 : vector<1024x128xf32>
    %max3A = arith.constant 0.000000e+00 : f32
    %max3A_17 = vector.broadcast %max3A : f32 to vector<1024x128xf32>
    %max3A_18 = arith.maximumf %add3A_16, %max3A_17 : vector<1024x128xf32>
    %get3A_19 = arith.constant 0 : index
    %get3A_20 = arith.constant 0 : index
    %get3A_21 = vector.load %arg5[%get3A_19, %get3A_20] : memref<128x128xf32, #tpu.memory_space<vmem>>, vector<128x128xf32>
    %dot_general3A = arith.constant dense<0.000000e+00> : vector<1024x128xf32>
    %dot_general3A_22 = tpu.matmul %max3A_18, %get3A_21, %dot_general3A {dimension_numbers = #tpu.dot_dimension_numbers<[1], [0], [0], [1], [0, 0, 1, 1], [], []>, transpose_lhs_hint = false} : vector<1024x128xf32>, vector<128x128xf32>, vector<1024x128xf32> -> vector<1024x128xf32>
    %swap3A = arith.constant 0 : index
    %swap3A_23 = arith.constant 0 : index
    %swap3A_24 = vector.load %arg6[%swap3A, %swap3A_23] : memref<1024x128xf32, #tpu.memory_space<vmem>>, vector<1024x128xf32>
    tpu.vector_store %arg6[%swap3A, %swap3A_23], %dot_general3A_22 {strides = array<i32>} : memref<1024x128xf32, #tpu.memory_space<vmem>>, vector<1024x128xf32>,
    %broadcast_in_dim3A_25 = vector.shape_cast %get3A_0 : vector<1024xf32> to vector<1024x1xf32>
    %mul3A_26 = vector.broadcast %broadcast_in_dim3A_25 : vector<1024x1xf32> to vector<1024x128xf32>
    %mul3A_27 = arith.mulf %dot_general3A_22, %mul3A_26 : vector<1024x128xf32>
    %swap3A_28 = arith.constant 0 : index
    %swap3A_29 = arith.constant 0 : index
    %swap3A_30 = vector.load %arg7[%swap3A_28, %swap3A_29] : memref<1024x128xf32, #tpu.memory_space<vmem>>, vector<1024x128xf32>
    tpu.vector_store %arg7[%swap3A_28, %swap3A_29], %mul3A_27 {strides = array<i32>} : memref<1024x128xf32, #tpu.memory_space<vmem>>, vector<1024x128xf32>,
    return
  }
  func.func @transform_0(%arg0: i32) -> (i32, i32) {
    %c0_i32 = arith.constant 0 : i32
    %c0_i32_0 = arith.constant 0 : i32
    return %arg0, %c0_i32 : i32, i32
  }
  func.func @transform_1(%arg0: i32) -> (i32, i32) {
    %c0_i32 = arith.constant 0 : i32
    %c0_i32_0 = arith.constant 0 : i32
    return %arg0, %c0_i32 : i32, i32
  }
  func.func @transform_2(%arg0: i32) -> i32 {
    %c0_i32 = arith.constant 0 : i32
    return %arg0 : i32
  }
  func.func @transform_3(%arg0: i32) -> i32 {
    %c0_i32 = arith.constant 0 : i32
    %c0_i32_0 = arith.constant 0 : i32
    return %c0_i32 : i32
  }
  func.func @transform_4(%arg0: i32) -> (i32, i32) {
    %c0_i32 = arith.constant 0 : i32
    %c0_i32_0 = arith.constant 0 : i32
    %c0_i32_1 = arith.constant 0 : i32
    return %c0_i32, %c0_i32_0 : i32, i32
  }
  func.func @transform_5(%arg0: i32) -> (i32, i32) {
    %c0_i32 = arith.constant 0 : i32
    %c0_i32_0 = arith.constant 0 : i32
    return %arg0, %c0_i32 : i32, i32
  }
  func.func @transform_6(%arg0: i32) -> (i32, i32) {
    %c0_i32 = arith.constant 0 : i32
    %c0_i32_0 = arith.constant 0 : i32
    return %arg0, %c0_i32 : i32, i32
  }
}

module attributes {stable_mosaic.version = 14 : i64} {
  func.func @_tc3_body(%arg0: i32, %arg1: memref<1024x128xf32, #tpu.memory_space<vmem>>, %arg2: memref<1024x128xf32, #tpu.memory_space<vmem>>, %arg3: memref<1024xf32, #tpu.memory_space<vmem>>, %arg4: memref<128xf32, #tpu.memory_space<vmem>>, %arg5: memref<1024xi32, #tpu.memory_space<vmem>>, %arg6: memref<128x128xf32, #tpu.memory_space<vmem>>, %arg7: memref<128xf32, #tpu.memory_space<vmem>>, %arg8: memref<128x128xf32, #tpu.memory_space<vmem>>, %arg9: memref<128xf32, #tpu.memory_space<vmem>>, %arg10: memref<16x128xf32, #tpu.memory_space<vmem>>, %arg11: memref<16x128xf32, #tpu.memory_space<vmem>>, %arg12: memref<16x128xf32, #tpu.memory_space<vmem>>) attributes {dimension_semantics = [#tpu.dimension_semantics<arbitrary>], iteration_bounds = array<i64: 10>, scalar_prefetch = 0 : i64, scratch_operands = 2 : i64, tpu.core_type = #tpu.core_type<tc>, window_params = [{transform_indices = @transform_0, window_bounds = array<i64: 1024, 128>}, {transform_indices = @transform_1, window_bounds = array<i64: 1024, 128>}, {transform_indices = @transform_2, window_bounds = array<i64: 1024>}, {pipeline_mode = #tpu.pipeline_mode<synchronous>, transform_indices = @transform_3, window_bounds = array<i64: 128>}, {transform_indices = @transform_4, window_bounds = array<i64: 1024>}, {pipeline_mode = #tpu.pipeline_mode<synchronous>, transform_indices = @transform_5, window_bounds = array<i64: 128, 128>}, {pipeline_mode = #tpu.pipeline_mode<synchronous>, transform_indices = @transform_6, window_bounds = array<i64: 128>}, {pipeline_mode = #tpu.pipeline_mode<synchronous>, transform_indices = @transform_7, window_bounds = array<i64: 128, 128>}, {pipeline_mode = #tpu.pipeline_mode<synchronous>, transform_indices = @transform_8, window_bounds = array<i64: 128>}, {pipeline_mode = #tpu.pipeline_mode<synchronous>, transform_indices = @transform_9, window_bounds = array<i64: 16, 128>}]} {
    %eq3A = arith.constant 0 : i32
    %eq3A_0 = arith.cmpi eq, %arg0, %eq3A : i32
    %convert_element_type3A = arith.extui %eq3A_0 : i1 to i32
    %cond3A = arith.constant 0 : i32
    %cond3A_1 = arith.cmpi ne, %convert_element_type3A, %cond3A : i32
    scf.if %cond3A_1 {
      %broadcast_in_dim3A_51 = arith.constant 0.000000e+00 : f32
      %broadcast_in_dim3A_52 = vector.broadcast %broadcast_in_dim3A_51 : f32 to vector<16x128xf32>
      %swap3A_53 = arith.constant 0 : index
      %swap3A_54 = arith.constant 0 : index
      %swap3A_55 = vector.load %arg11[%swap3A_53, %swap3A_54] : memref<16x128xf32, #tpu.memory_space<vmem>>, vector<16x128xf32>
      tpu.vector_store %arg11[%swap3A_53, %swap3A_54], %broadcast_in_dim3A_52 {strides = array<i32>} : memref<16x128xf32, #tpu.memory_space<vmem>>, vector<16x128xf32>,
      %broadcast_in_dim3A_56 = arith.constant 0.000000e+00 : f32
      %broadcast_in_dim3A_57 = vector.broadcast %broadcast_in_dim3A_56 : f32 to vector<16x128xf32>
      %swap3A_58 = arith.constant 0 : index
      %swap3A_59 = arith.constant 0 : index
      %swap3A_60 = vector.load %arg12[%swap3A_58, %swap3A_59] : memref<16x128xf32, #tpu.memory_space<vmem>>, vector<16x128xf32>
      tpu.vector_store %arg12[%swap3A_58, %swap3A_59], %broadcast_in_dim3A_57 {strides = array<i32>} : memref<16x128xf32, #tpu.memory_space<vmem>>, vector<16x128xf32>,
    } else {
    }
    %get3A = arith.constant 0 : index
    %get3A_2 = vector.load %arg3[%get3A] : memref<1024xf32, #tpu.memory_space<vmem>>, vector<1024xf32>
    %get3A_3 = arith.constant 0 : index
    %get3A_4 = arith.constant 0 : index
    %get3A_5 = vector.load %arg1[%get3A_3, %get3A_4] : memref<1024x128xf32, #tpu.memory_space<vmem>>, vector<1024x128xf32>
    %broadcast_in_dim3A = vector.shape_cast %get3A_2 : vector<1024xf32> to vector<1024x1xf32>
    %mul3A = vector.broadcast %broadcast_in_dim3A : vector<1024x1xf32> to vector<1024x128xf32>
    %mul3A_6 = arith.mulf %get3A_5, %mul3A : vector<1024x128xf32>
    %get3A_7 = arith.constant 0 : index
    %get3A_8 = arith.constant 0 : index
    %get3A_9 = vector.load %arg2[%get3A_7, %get3A_8] : memref<1024x128xf32, #tpu.memory_space<vmem>>, vector<1024x128xf32>
    %mul3A_10 = arith.mulf %get3A_2, %get3A_2 : vector<1024xf32>
    %broadcast_in_dim3A_11 = vector.shape_cast %mul3A_10 : vector<1024xf32> to vector<1024x1xf32>
    %mul3A_12 = vector.broadcast %broadcast_in_dim3A_11 : vector<1024x1xf32> to vector<1024x128xf32>
    %mul3A_13 = arith.mulf %get3A_9, %mul3A_12 : vector<1024x128xf32>
    %add3A = arith.addf %mul3A_6, %mul3A_13 : vector<1024x128xf32>
    %get3A_14 = arith.constant 0 : index
    %get3A_15 = vector.load %arg4[%get3A_14] : memref<128xf32, #tpu.memory_space<vmem>>, vector<128xf32>
    %broadcast_in_dim3A_16 = vector.shape_cast %get3A_15 : vector<128xf32> to vector<1x128xf32>
    %add3A_17 = vector.broadcast %broadcast_in_dim3A_16 : vector<1x128xf32> to vector<1024x128xf32>
    %add3A_18 = arith.addf %add3A, %add3A_17 : vector<1024x128xf32>
    %max3A = arith.constant 0.000000e+00 : f32
    %max3A_19 = vector.broadcast %max3A : f32 to vector<1024x128xf32>
    %max3A_20 = arith.maximumf %add3A_18, %max3A_19 : vector<1024x128xf32>
    %iota3A = tpu.iota {dimensions = array<i32: 0>} : vector<16x1024xi32>
    %get3A_21 = arith.constant 0 : index
    %get3A_22 = vector.load %arg5[%get3A_21] : memref<1024xi32, #tpu.memory_space<vmem>>, vector<1024xi32>
    %broadcast_in_dim3A_23 = vector.shape_cast %get3A_22 : vector<1024xi32> to vector<1x1024xi32>
    %eq3A_24 = vector.broadcast %broadcast_in_dim3A_23 : vector<1x1024xi32> to vector<16x1024xi32>
    %eq3A_25 = arith.cmpi eq, %eq3A_24, %iota3A : vector<16x1024xi32>
    %convert_element_type3A_26 = arith.extui %eq3A_25 : vector<16x1024xi1> to vector<16x1024xi32>
    %convert_element_type3A_27 = arith.sitofp %convert_element_type3A_26 : vector<16x1024xi32> to vector<16x1024xf32>
    %get3A_28 = arith.constant 0 : index
    %get3A_29 = arith.constant 0 : index
    %get3A_30 = vector.load %arg11[%get3A_28, %get3A_29] : memref<16x128xf32, #tpu.memory_space<vmem>>, vector<16x128xf32>
    %dot_general3A = arith.constant dense<0.000000e+00> : vector<16x128xf32>
    %dot_general3A_31 = tpu.matmul %convert_element_type3A_27, %max3A_20, %dot_general3A {dimension_numbers = #tpu.dot_dimension_numbers<[1], [0], [0], [1], [0, 0, 1, 1], [], []>, transpose_lhs_hint = false} : vector<16x1024xf32>, vector<1024x128xf32>, vector<16x128xf32> -> vector<16x128xf32>
    %add3A_32 = arith.addf %get3A_30, %dot_general3A_31 : vector<16x128xf32>
    %swap3A = arith.constant 0 : index
    %swap3A_33 = arith.constant 0 : index
    %swap3A_34 = vector.load %arg11[%swap3A, %swap3A_33] : memref<16x128xf32, #tpu.memory_space<vmem>>, vector<16x128xf32>
    tpu.vector_store %arg11[%swap3A, %swap3A_33], %add3A_32 {strides = array<i32>} : memref<16x128xf32, #tpu.memory_space<vmem>>, vector<16x128xf32>,
    %get3A_35 = arith.constant 0 : index
    %get3A_36 = arith.constant 0 : index
    %get3A_37 = vector.load %arg12[%get3A_35, %get3A_36] : memref<16x128xf32, #tpu.memory_space<vmem>>, vector<16x128xf32>
    %broadcast_in_dim3A_38 = arith.constant 1.000000e+00 : f32
    %broadcast_in_dim3A_39 = vector.broadcast %broadcast_in_dim3A_38 : f32 to vector<1024x128xf32>
    %dot_general3A_40 = arith.constant dense<0.000000e+00> : vector<16x128xf32>
    %dot_general3A_41 = tpu.matmul %convert_element_type3A_27, %broadcast_in_dim3A_39, %dot_general3A_40 {dimension_numbers = #tpu.dot_dimension_numbers<[1], [0], [0], [1], [0, 0, 1, 1], [], []>, transpose_lhs_hint = false} : vector<16x1024xf32>, vector<1024x128xf32>, vector<16x128xf32> -> vector<16x128xf32>
    %add3A_42 = arith.addf %get3A_37, %dot_general3A_41 : vector<16x128xf32>
    %swap3A_43 = arith.constant 0 : index
    %swap3A_44 = arith.constant 0 : index
    %swap3A_45 = vector.load %arg12[%swap3A_43, %swap3A_44] : memref<16x128xf32, #tpu.memory_space<vmem>>, vector<16x128xf32>
    tpu.vector_store %arg12[%swap3A_43, %swap3A_44], %add3A_42 {strides = array<i32>} : memref<16x128xf32, #tpu.memory_space<vmem>>, vector<16x128xf32>,
    %eq3A_46 = arith.constant 9 : i32
    %eq3A_47 = arith.cmpi eq, %arg0, %eq3A_46 : i32
    %convert_element_type3A_48 = arith.extui %eq3A_47 : i1 to i32
    %cond3A_49 = arith.constant 0 : i32
    %cond3A_50 = arith.cmpi ne, %convert_element_type3A_48, %cond3A_49 : i32
    scf.if %cond3A_50 {
      %get3A_51 = arith.constant 0 : index
      %get3A_52 = arith.constant 0 : index
      %get3A_53 = vector.load %arg11[%get3A_51, %get3A_52] : memref<16x128xf32, #tpu.memory_space<vmem>>, vector<16x128xf32>
      %get3A_54 = arith.constant 0 : index
      %get3A_55 = arith.constant 0 : index
      %get3A_56 = vector.load %arg12[%get3A_54, %get3A_55] : memref<16x128xf32, #tpu.memory_space<vmem>>, vector<16x128xf32>
      %max3A_57 = arith.constant 1.000000e+00 : f32
      %max3A_58 = vector.broadcast %max3A_57 : f32 to vector<16x128xf32>
      %max3A_59 = arith.maximumf %get3A_56, %max3A_58 : vector<16x128xf32>
      %div3A = arith.divf %get3A_53, %max3A_59 : vector<16x128xf32>
      %get3A_60 = arith.constant 0 : index
      %get3A_61 = arith.constant 0 : index
      %get3A_62 = vector.load %arg6[%get3A_60, %get3A_61] : memref<128x128xf32, #tpu.memory_space<vmem>>, vector<128x128xf32>
      %dot_general3A_63 = arith.constant dense<0.000000e+00> : vector<16x128xf32>
      %dot_general3A_64 = tpu.matmul %div3A, %get3A_62, %dot_general3A_63 {dimension_numbers = #tpu.dot_dimension_numbers<[1], [0], [0], [1], [0, 0, 1, 1], [], []>, transpose_lhs_hint = false} : vector<16x128xf32>, vector<128x128xf32>, vector<16x128xf32> -> vector<16x128xf32>
      %get3A_65 = arith.constant 0 : index
      %get3A_66 = vector.load %arg7[%get3A_65] : memref<128xf32, #tpu.memory_space<vmem>>, vector<128xf32>
      %broadcast_in_dim3A_67 = vector.shape_cast %get3A_66 : vector<128xf32> to vector<1x128xf32>
      %add3A_68 = vector.broadcast %broadcast_in_dim3A_67 : vector<1x128xf32> to vector<16x128xf32>
      %add3A_69 = arith.addf %dot_general3A_64, %add3A_68 : vector<16x128xf32>
      %max3A_70 = arith.constant 0.000000e+00 : f32
      %max3A_71 = vector.broadcast %max3A_70 : f32 to vector<16x128xf32>
      %max3A_72 = arith.maximumf %add3A_69, %max3A_71 : vector<16x128xf32>
      %get3A_73 = arith.constant 0 : index
      %get3A_74 = arith.constant 0 : index
      %get3A_75 = vector.load %arg8[%get3A_73, %get3A_74] : memref<128x128xf32, #tpu.memory_space<vmem>>, vector<128x128xf32>
      %dot_general3A_76 = arith.constant dense<0.000000e+00> : vector<16x128xf32>
      %dot_general3A_77 = tpu.matmul %max3A_72, %get3A_75, %dot_general3A_76 {dimension_numbers = #tpu.dot_dimension_numbers<[1], [0], [0], [1], [0, 0, 1, 1], [], []>, transpose_lhs_hint = false} : vector<16x128xf32>, vector<128x128xf32>, vector<16x128xf32> -> vector<16x128xf32>
      %get3A_78 = arith.constant 0 : index
      %get3A_79 = vector.load %arg9[%get3A_78] : memref<128xf32, #tpu.memory_space<vmem>>, vector<128xf32>
      %broadcast_in_dim3A_80 = vector.shape_cast %get3A_79 : vector<128xf32> to vector<1x128xf32>
      %add3A_81 = vector.broadcast %broadcast_in_dim3A_80 : vector<1x128xf32> to vector<16x128xf32>
      %add3A_82 = arith.addf %dot_general3A_77, %add3A_81 : vector<16x128xf32>
      %swap3A_83 = arith.constant 0 : index
      %swap3A_84 = arith.constant 0 : index
      %swap3A_85 = vector.load %arg10[%swap3A_83, %swap3A_84] : memref<16x128xf32, #tpu.memory_space<vmem>>, vector<16x128xf32>
      tpu.vector_store %arg10[%swap3A_83, %swap3A_84], %add3A_82 {strides = array<i32>} : memref<16x128xf32, #tpu.memory_space<vmem>>, vector<16x128xf32>,
    } else {
    }
    return
  }
  func.func @transform_0(%arg0: i32) -> (i32, i32) {
    %c0_i32 = arith.constant 0 : i32
    %c0_i32_0 = arith.constant 0 : i32
    return %arg0, %c0_i32 : i32, i32
  }
  func.func @transform_1(%arg0: i32) -> (i32, i32) {
    %c0_i32 = arith.constant 0 : i32
    %c0_i32_0 = arith.constant 0 : i32
    return %arg0, %c0_i32 : i32, i32
  }
  func.func @transform_2(%arg0: i32) -> i32 {
    %c0_i32 = arith.constant 0 : i32
    return %arg0 : i32
  }
  func.func @transform_3(%arg0: i32) -> i32 {
    %c0_i32 = arith.constant 0 : i32
    %c0_i32_0 = arith.constant 0 : i32
    return %c0_i32 : i32
  }
  func.func @transform_4(%arg0: i32) -> i32 {
    %c0_i32 = arith.constant 0 : i32
    return %arg0 : i32
  }
  func.func @transform_5(%arg0: i32) -> (i32, i32) {
    %c0_i32 = arith.constant 0 : i32
    %c0_i32_0 = arith.constant 0 : i32
    %c0_i32_1 = arith.constant 0 : i32
    return %c0_i32, %c0_i32_0 : i32, i32
  }
  func.func @transform_6(%arg0: i32) -> i32 {
    %c0_i32 = arith.constant 0 : i32
    %c0_i32_0 = arith.constant 0 : i32
    return %c0_i32 : i32
  }
  func.func @transform_7(%arg0: i32) -> (i32, i32) {
    %c0_i32 = arith.constant 0 : i32
    %c0_i32_0 = arith.constant 0 : i32
    %c0_i32_1 = arith.constant 0 : i32
    return %c0_i32, %c0_i32_0 : i32, i32
  }
  func.func @transform_8(%arg0: i32) -> i32 {
    %c0_i32 = arith.constant 0 : i32
    %c0_i32_0 = arith.constant 0 : i32
    return %c0_i32 : i32
  }
  func.func @transform_9(%arg0: i32) -> (i32, i32) {
    %c0_i32 = arith.constant 0 : i32
    %c0_i32_0 = arith.constant 0 : i32
    %c0_i32_1 = arith.constant 0 : i32
    return %c0_i32, %c0_i32_0 : i32, i32
  }
}

</mosaic_0001>

<sc_bundles>
// kernel: kernel.11.cloned.1.call-start
scs
__scs_entry_jumppad:
0x0: {  	(pc) =	sbr.rel $0x88, $3  }
0x1: {  	(tag) =	ssettag $0x0;
	lr =	simm.s32 $0x1  }
0x2: {  	[smem:$0x3F95] =	sst lr;
	_ =	strace $0xD0000000  }
0x3: {  	_ = 	snop  }
0x4: {  	_ = 	snop  }
0x5: {  	_ = 	snop  }
0x6: {  	_ = 	snop  }
0x7: {  	_ = 	snop  }
__scs_overlays_trampoline_lowered:
0x8: {  	[smem:$0x3FA4] =	sst s0  }
0x9: {  	[smem:$0x3FA5] =	sst s1  }
0xa: {  	[smem:$0x3FA6] =	sst s2  }
0xb: {  	[smem:$0x3FA7] =	sst s3  }
0xc: {  	[smem:$0x3FA8] =	sst s4  }
0xd: {  	[smem:$0x3FA9] =	sst s5  }
0xe: {  	[smem:$0x3FAA] =	sst s6  }
0xf: {  	[smem:$0x3FAB] =	sst s7  }
0x10: {  	[smem:$0x3FAC] =	sst s8  }
0x11: {  	[smem:$0x3FAD] =	sst s9;
	s0 =	simm.s32 @!p0 $0x0  }
0x12: {  	s1 =	sld [smem:$0x3F93];
	s0 =	simm.s32 @p0 $0x1  }
0x13: {  	[smem:$0x3FAE] =	sst s0;
	s0 =	simm.s32 @!p1 $0x0  }
0x14: {  	s2 =	sld [smem:$0x3F92];
	s0 =	simm.s32 @p1 $0x1  }
0x15: {  	[smem:$0x3FAF] =	sst s0;
	s0 =	simm.s32 @!p2 $0x0  }
0x16: {  	s3 =	sld [smem:$0x3FDB];
	s0 =	simm.s32 @p2 $0x1  }
0x17: {  	s4 =	simm.s32 $0x1BF5;
	[smem:$0x3FB1] =	sst s0  }
0x18: {  	s0 =	sld [smem:$0x3F94];
	_ =	swait.ge [sflag:s4], $0x0  }
0x19: {  	s7 =	sld [smem:$0x3F95]  }
0x1a: {  	s8 =	sadd.s32 $0xFFFFE003, lr  }
0x1b: {  	s9 =	sadd.s32 $0xFFFFFEF7, lr;
	s5 =	simm.s32 $0xFFFFFFFF;
	p2 =	slt.u32 s8, $0xFFFFF086  }
0x1c: {  	p1 =	slt.u32 s9, $0xF7A;
	s5 =	simm.s32 @!p2 $0x0  }
0x1d: {  	s5 =	simm.s32 @p1 $0x1;
	p0 =	seq.s32 s7, s2  }
0x1e: {  	s7 =	smul.u32 @!p0 $0xF7A, s2;
	p2 =	seq.s32 @!p0 s5, $0x0  }
0x1f: {  	s9 =	smul.u32 $0xF7A, s1;
	s8 =	simm.s32 @!p0 $0x1BF5;
	p2 =	por !p2, p0  }
0x20: {  	[sflag:s8] =	ssyncset.s32 @!p0 $0xFFFFF086;
	s6 =	sadd.s32 @!p0 s3, s7;
	s7 =	simm.s32 @!p0 $0x108  }
0x21: {  	s3 =	sadd.s32 s3, s9;
	s6 =	sadd.s32 @!p0 $0x88, s6;
	s7 =	simm.s32 @p2 $0x1082  }
0x22: {  	[simem:s7], [sflag:s8] =	dma.local @!p0 [hbm:s6], $0xF7A  }
0x23: {  	s9 =	sor.u32 $0xD0000000, s2;
	s6 =	simm.s32 $0x108;
	_ =	swait.ge @!p0 [sflag:s8], $0x0  }
0x24: {  	s3 =	sadd.s32 $0x88, s3;
	s6 =	simm.s32 @!p1 $0x1082;
	[sflag:s4] =	ssyncset.s32 $0xFFFFF086  }
0x25: {  	[simem:s6], [sflag:s4] =	dma.local [hbm:s3], $0xF7A  }
0x26: {  	[smem:$0x3F95] =	sst s1;
	(tag) =	ssettag s2;
	_ =	strace s9  }
0x27: {  	s1 =	sld [smem:$0x3FA5]  }
0x28: {  	s2 =	sld [smem:$0x3FA6]  }
0x29: {  	s4 =	sld [smem:$0x3FA8]  }
0x2a: {  	p0 =	seq.s32 s5, $0x0;
	s5 =	sld [smem:$0x3FA9]  }
0x2b: {  	s6 =	sld [smem:$0x3FAA]  }
0x2c: {  	s7 =	sld [smem:$0x3FAB]  }
0x2d: {  	s3 =	simm.s32 $0x108;
	s8 =	sld [smem:$0x3FAC]  }
0x2e: {  	s3 =	simm.s32 @!p0 $0x1082;
	s9 =	sld [smem:$0x3FAD]  }
0x2f: {  	lr =	sadd.s32 s0, s3;
	s0 =	sld [smem:$0x3FA4]  }
0x30: {  	s3 =	sld [smem:$0x3FA7]  }
0x31: {  	[smem:$0x3FB0] =	sst s10  }
0x32: {  	s10 =	sld [smem:$0x3FAE];
	_ =	sdelay $0x3  }
0x33: {  	p0 =	seq.s32 s10, $0x1;
	s10 =	sld [smem:$0x3FB0];
	_ =	sdelay $0x3  }
0x34: {  	[smem:$0x3FB0] =	sst s10  }
0x35: {  	s10 =	sld [smem:$0x3FAF];
	_ =	sdelay $0x3  }
0x36: {  	p1 =	seq.s32 s10, $0x1;
	s10 =	sld [smem:$0x3FB0];
	_ =	sdelay $0x3  }
0x37: {  	[smem:$0x3FB0] =	sst s10  }
0x38: {  	s10 =	sld [smem:$0x3FB1]  }
0x39: {  	_ = 	snop;
	(pc) =	sbr.ind lr, $3  }
0x3a: {  	_ = 	snop  }
0x3b: {  	_ = 	snop  }
0x3c: {  	p2 =	seq.s32 s10, $0x1;
	s10 =	sld [smem:$0x3FB0]  }
0x3d: {  	_ =	shalt  }
0x3e: {  	_ =	shalt  }
0x3f: {  	_ =	shalt  }
0x40: {  	_ =	shalt  }
0x41: {  	_ =	shalt  }
0x42: {  	_ =	shalt  }
0x43: {  	_ =	shalt  }
0x44: {  	_ =	shalt  }
0x45: {  	_ =	shalt  }
0x46: {  	_ =	shalt  }
0x47: {  	_ =	shalt  }
0x48: {  	_ =	shalt  }
0x49: {  	_ =	shalt  }
0x4a: {  	_ =	shalt  }
0x4b: {  	_ =	shalt  }
0x4c: {  	_ =	shalt  }
0x4d: {  	_ =	shalt  }
0x4e: {  	_ =	shalt  }
0x4f: {  	_ =	shalt  }
0x50: {  	_ =	shalt  }
0x51: {  	_ =	shalt  }
0x52: {  	_ =	shalt  }
0x53: {  	_ =	shalt  }
0x54: {  	_ =	shalt  }
0x55: {  	_ =	shalt  }
0x56: {  	_ =	shalt  }
0x57: {  	_ =	shalt  }
0x58: {  	_ =	shalt  }
0x59: {  	_ =	shalt  }
0x5a: {  	_ =	shalt  }
0x5b: {  	_ =	shalt  }
0x5c: {  	_ =	shalt  }
0x5d: {  	_ =	shalt  }
0x5e: {  	_ =	shalt  }
0x5f: {  	_ =	shalt  }
0x60: {  	_ =	shalt  }
0x61: {  	_ =	shalt  }
0x62: {  	_ =	shalt  }
0x63: {  	_ =	shalt  }
0x64: {  	_ =	shalt  }
0x65: {  	_ =	shalt  }
0x66: {  	_ =	shalt  }
0x67: {  	_ =	shalt  }
0x68: {  	_ =	shalt  }
0x69: {  	_ =	shalt  }
0x6a: {  	_ =	shalt  }
0x6b: {  	_ =	shalt  }
0x6c: {  	_ =	shalt  }
0x6d: {  	_ =	shalt  }
0x6e: {  	_ =	shalt  }
0x6f: {  	_ =	shalt  }
0x70: {  	_ =	shalt  }
0x71: {  	_ =	shalt  }
0x72: {  	_ =	shalt  }
0x73: {  	_ =	shalt  }
0x74: {  	_ =	shalt  }
0x75: {  	_ =	shalt  }
0x76: {  	_ =	shalt  }
0x77: {  	_ =	shalt  }
0x78: {  	_ =	shalt  }
0x79: {  	_ =	shalt  }
0x7a: {  	_ =	shalt  }
0x7b: {  	_ =	shalt  }
0x7c: {  	_ =	shalt  }
0x7d: {  	_ =	shalt  }
0x7e: {  	_ =	shalt  }
0x7f: {  	_ =	shalt  }
0x80: {  	_ =	shalt  }
0x81: {  	_ =	shalt  }
0x82: {  	_ =	shalt  }
0x83: {  	_ =	shalt  }
0x84: {  	_ =	shalt  }
0x85: {  	_ =	shalt  }
0x86: {  	_ =	shalt  }
0x87: {  	_ =	shalt  }
.Lfunc_end0:
.L_simem_size_0:
called_computation.1_lowered:
.L_overlay_start_0:
0x88: {  	s2 =	sld [smem:$0x3FD9]  }
0x89: {  	s3 =	sld [smem:$0x3FFE];
	_ =	sdelay $0x1  }
0x8a: {  	s1 =	srdreg.scid  }
0x8b: {  	s0 =	sand.u32 $0x1, s1  }
0x8c: {  	s16 =	sshll.u32 s0, $0xA;
	s2 =	sadd.s32 s3, s2  }
0x8d: {  	s2 =	sadd.s32 s2, s16  }
0x8e: {  	[smem:$0x3FBC] =	sst s2  }
0x8f: {  	_ = 	snop  }
0x90: {  	(tm) =	ssettm $0x1  }
0x91: {  	s17 =	sld [smem:$0x3FFB];
	_ =	sdelay $0x3  }
0x92: {  	_ =	strace s17  }
0x93: {  	s2 =	sld [smem:$0x3FFC];
	_ =	sdelay $0x3  }
0x94: {  	_ =	strace s2  }
0x95: {  	s2 =	sld [smem:$0x3FFD];
	_ =	sdelay $0x3  }
0x96: {  	_ =	strace s2  }
0x97: {  	_ =	strace $0x8FFFFFFF  }
0x98: {  	s18 =	sld [smem:$0x3FDB];
	_ =	sdelay $0x1  }
0x99: {  	s19 =	simm.s32 $_scs_section_size  }
0x9a: {  	s4 =	simm.s32 $_size__tile_overlayer_lowered;
	s5 =	simm.s32 $_tile_overlayer_lowered  }
0x9b: {  	s22 =	simm.s32 $0x1BFF;
	s21 =	sshll.u32 s5, $0x1;
	s2 =	sadd.s32 s19, s18  }
0x9c: {  	s6 =	simm.s32 $0x0;
	s20 =	sshll.u32 s4, $0x1;
	s4 =	sadd.s32 s21, s2  }
0x9d: {  	[timem:s6], [sflag:s22] =	dma.local [hbm:s4], s20  }
0x9e: {  	_ =	swait.ge [sflag:s22], s20  }
0x9f: {  	s3 =	ssub.s32 $0x0, s20;
	[sflag:s22] =	ssyncset.done $0x0  }
0xa0: {  	[sflag:s22] =	ssyncadd.s32 s3;
	_ =	sdelay $0x1  }
0xa1: {  	s23 =	simm.s32 $0x1B8B  }
0xa2: {  	_ =	swait.ge [sflag:s23], $0x1  }
0xa3: {  	[sflag:s23] =	ssyncset.done $0x0  }
0xa4: {  	s25 =	simm.s32 $0x1B8E;
	s24 =	sld [smem:$0x3FFE];
	[sflag:s23] =	ssyncadd.s32 $0xFFFFFFFF  }
0xa5: {  	s26 =	simm.s32 $execute0_lowered;
	[smem:$0x3FD2] =	sst s25  }
0xa6: {  	s4 =	sshll.u32 s26, $0x1;
	_ =	strace $0x80000049;
	[dreg:$0x1] =	wrdreg $0xFFFFFFFF  }
0xa7: {  	s28 =	simm.s32 $_size_execute0_lowered;
	s2 =	sadd.s32 s2, s4;
	[dreg:$0x0] =	wrdreg $0x0  }
0xa8: {  	s4 =	sshll.u32 s28, $0x1;
	[dreg:$0x2] =	wrdreg s2  }
0xa9: {  	[dreg:$0x3] =	wrdreg s4  }
0xaa: {  	[dreg:$0x4] =	wrdreg $0xC0  }
0xab: {  	_ =	task [dreg:s6], $0x5FFFF  }
0xac: {  	[dreg:$0x1] =	wrdreg $0xFFFFFFFF  }
0xad: {  	[dreg:$0x0] =	wrdreg $0x60  }
0xae: {  	[dreg:$0x2] =	wrdreg s24  }
0xaf: {  	[dreg:$0x3] =	wrdreg $0x120800  }
0xb0: {  	[dreg:$0x4] =	wrdreg $0x9  }
0xb1: {  	_ =	task.clear_ibuf [dreg:s6], $0x5FFFF;
	_ =	strace $0x90000049  }
0xb2: {  	s29 =	simm.s32 $0x9;
	_ =	strace $0x8000004B  }
0xb3: {  	_ =	swait.ge [sflag:s29], $0x1  }
0xb4: {  	[sflag:s29] =	ssyncadd.s32 $0xFFFFFFFF  }
0xb5: {  	_ =	strace $0x9000004B  }
0xb6: {  	_ =	sfence  }
0xb7: {  	s30 =	sld [smem:$0x0];
	_ =	sdelay $0x2  }
0xb8: {  	s31 =	sshll.u32 s1, $0xD;
	s1 =	sshrl.u32 s1, $0x2  }
0xb9: {  	s3 =	sand.u32 $0x4000, s31;
	s1 =	sadd.s32 s1, s30  }
0xba: {  	s0 =	sor.u32 s3, s0;
	s1 =	sshll.u32 s1, $0x11  }
0xbb: {  	s0 =	sor.u32 s1, s0  }
0xbc: {  	s0 =	sadd.s32 $0x8F2B, s0  }
0xbd: {  	[sflag:s0] =	ssyncadd.remote.s32 $0x1  }
0xbe: {  	_ =	sfence.sel $0xFFFF  }
0xbf: {  	[dreg:$0x0] =	wrdreg $0xFFFFFFFF;
	(pc) =	sbr.abs _section_cstart, $3  }
0xc0: {  	[dreg:$0x1] =	wrdreg $0xFFFFFFFF  }
0xc1: {  	_ =	task.clear_ibuf [dreg:s6], $0x2FFFF;
	_ =	strace $0x9FFFFFFF  }
0xc2: {  	(tm) =	ssettm $0x7FFFFFFF  }
0xc3: {  	_ =	shalt  }
tec
execute0_lowered:
.L_overlay_start_1:
0x0: {  	(tag) =	ssettag $0x1  }
0x1: {  	s6 =	rddreg [dreg:$0x0]  }
0x2: {  	s1 =	rddreg [dreg:$0x1];
	s2 =	srdreg.scid  }
0x3: {  	s0 =	rddreg [dreg:$0x2];
	s3 =	simm.s32 $0x0;
	s7 =	sand.u32 $0x1, s2  }
0x4: {  	s15 =	simm.s32 $0x2;
	s2 =	stileid.u32;
	s19 =	smul.u32 $0x1400, s7  }
0x5: {  	s16 =	simm.s32 $0x5000;
	s17 =	simm.s32 $0x80;
	s5 =	smul.u32 $0x140, s2  }
0x6: {  	s18 =	simm.s32 $0x1;
	s20 =	simm.s32 $0xA000;
	s8 =	smul.u32 $0xA00, s2  }
0x7: {  	[smem:$0x7FF] =	sst s3;
	s4 =	sadd.s32 $0x2C600, s6;
	s10 =	smul.u32 $0x28200, s2  }
0x8: {  	_ =	strace $0x8000004A;
	s7 =	ssub.s32 $0x2, s7;
	s13 =	smul.u32 $0x28000, s2  }
0x9: {  	s31 =	sshrl.u32 s7, $0x1;
	s9 =	sadd.s32 s5, s19;
	s11 =	sadd.s32 s8, s6  }
0xa: {  	s5 =	sadd.s32 $0x7C600, s6;
	s30 =	sshrl.u32 s10, $0x2;
	s14 =	ssub.s32 s7, s31  }
0xb: {  	s13 =	sshrl.u32 s13, $0x2;
	v0 =	vmov s19;
	s19 =	simm.s32 $0xA080;
	s29 =	sshll.u32 s9, $0x4  }
0xc: {  	s9 =	sadd.s32 $0x22600, s11;
	s10 =	sadd.s32 $0x18600, s11;
	s11 =	smul.u32 $0x274000, s2  }
0xd: {  	s21 =	sadd.s32 s13, s1;
	s13 =	smax.u32 s14, $0x1;
	s14 =	simm.s32 $0xE080  }
0xe: {  	s12 =	sadd.s32 s29, s6;
	s6 =	sadd.s32 s30, s1;
	s21 =	sshrl.u32 s21, $0x3  }
0xf: {  	v1 =	vimm.f32 $0.0e+00;
	s7 =	sadd.s32 $0x4000, s6;
	s8 =	sadd.s32 $0x8000, s6;
	s12 =	sadd.s32 $0x564600, s12  }
.LBB2_1:
0x10: {  	s22 =	simm.s32 $0x0;
	s23 =	simm.s32 $0x200  }
.LBB2_2:
0x11: {  	p0 =	sne.s32 s23, $0xFE00;
	[tilespmem:s22+$0xE0F0] =	vst v1  }
0x12: {  	[tilespmem:s22+$0xE080] =	vst v1  }
0x13: {  	[tilespmem:s22+$0xE090] =	vst v1  }
.Ltmp0:
0x14: {  	[tilespmem:s22+$0xE0A0] =	vst v1;
	(pc) =	sbr.rel @p0 .LBB2_2-.Ltmp0, $4  }
0x15: {  	[tilespmem:s22+$0xE0B0] =	vst v1  }
0x16: {  	[tilespmem:s22+$0xE0C0] =	vst v1  }
0x17: {  	[tilespmem:s22+$0xE0D0] =	vst v1  }
0x18: {  	[tilespmem:s22+$0xE0E0] =	vst v1;
	s22 =	sshra.s32 s23, $0x2;
	s23 =	sadd.s32 $0x200, s23  }
0x19: {  	[tilespmem:s22+$0xE0F0] =	vst v1  }
0x1a: {  	[tilespmem:s22+$0xE080] =	vst v1  }
0x1b: {  	[tilespmem:s22+$0xE090] =	vst v1  }
0x1c: {  	[tilespmem:s22+$0xE0A0] =	vst v1  }
0x1d: {  	[tilespmem:s22+$0xE0B0] =	vst v1  }
0x1e: {  	[tilespmem:s22+$0xE0C0] =	vst v1  }
0x1f: {  	[tilespmem:s22+$0xE0D0] =	vst v1  }
0x20: {  	[tilespmem:s22+$0xE0E0] =	vst v1  }
0x21: {  	[spmem:s6] =	stream.linear.scatter [tilespmem:s14], [sflag:$0x2], $0x4000, $0x38;
	[tilespmem:$0x1C100] =	vst v63  }
0x22: {  	_ =	swait.ge [sflag:s15], $0x4000  }
0x23: {  	[sflag:s15] =	ssyncset.done $0x0  }
0x24: {  	[sflag:s15] =	ssyncadd.s32 $0xFFFFC000  }
0x25: {  	[spmem:s7] =	stream.linear.scatter [tilespmem:s14], [sflag:$0x2], $0x4000, $0x38;
	[tilespmem:$0x1C100] =	vst v63  }
0x26: {  	_ =	swait.ge [sflag:s15], $0x4000  }
0x27: {  	[sflag:s15] =	ssyncset.done $0x0  }
0x28: {  	[sflag:s15] =	ssyncadd.s32 $0xFFFFC000  }
0x29: {  	[spmem:s8] =	stream.linear.scatter [tilespmem:s14], [sflag:$0x2], $0x2080, $0x38;
	[tilespmem:$0x1C100] =	vst v63  }
0x2a: {  	_ =	swait.ge [sflag:s15], $0x2080  }
0x2b: {  	[sflag:s15] =	ssyncset.done $0x0  }
0x2c: {  	[sflag:s15] =	ssyncadd.s32 $0xFFFFDF80  }
0x2d: {  	s22 =	simm.s32 $0x0;
	[bflag:$0x0] =	sbarrier.arrive $0xFFFF  }
0x2e: {  	[tilespmem:s22], [sflag:$0x2] =	stream.linear.gather [hbm4b:s9+s22], $0x4E80, $0x38;
	[tilespmem:$0x1C100] =	vst v63  }
0x2f: {  	_ =	swait.ge [sflag:s15], $0x4E80  }
0x30: {  	[sflag:s15] =	ssyncset.done $0x0  }
0x31: {  	[sflag:s15] =	ssyncadd.s32 $0xFFFFB180  }
0x32: {  	[tilespmem:s16], [sflag:$0x2] =	stream.linear.gather [hbm4b:s10+s22], $0x4E80, $0x38;
	[tilespmem:$0x1C100] =	vst v63  }
0x33: {  	_ =	swait.ge [sflag:s15], $0x4E80  }
0x34: {  	[sflag:s15] =	ssyncset.done $0x0  }
0x35: {  	s23 =	simm.s32 $0x0;
	[sflag:s15] =	ssyncadd.s32 $0xFFFFB180  }
.LBB2_4:
0x36: {  	s24 =	sshll.u32 s23, $0x7;
	s25 =	sshll.u32 s23, $0xE  }
0x37: {  	[tilespmem:s14], [sflag:$0x1] =	stream.indirect.gather [hbm4b:s4+s17], $0x80, s24, s17, $0xb8;
	[tilespmem:$0x1C100] =	vst v63  }
0x38: {  	s25 =	sadd.s32 s11, s25;
	_ =	swait.ge [sflag:s18], $0x4000  }
0x39: {  	s25 =	sshrl.u32 s25, $0x3;
	[sflag:s18] =	ssyncset.done $0x0  }
0x3a: {  	s25 =	sadd.s32 s5, s25;
	[sflag:s18] =	ssyncadd.s32 $0xFFFFC000  }
0x3b: {  	[tilespmem:s19], [sflag:$0x2] =	stream.linear.gather [hbm4b:s25+s22], $0x4000, $0x38;
	[tilespmem:$0x1C100] =	vst v63  }
0x3c: {  	_ =	swait.ge [sflag:s15], $0x4000  }
0x3d: {  	[sflag:s15] =	ssyncset.done $0x0  }
0x3e: {  	s25 =	simm.s32 $0x0;
	[sflag:s15] =	ssyncadd.s32 $0xFFFFC000  }
0x3f: {  	v2 =	vld [tilespmem:s25+$0xA080]  }
0x40: {  	v6 =	vld [tilespmem:s25+$0xE080]  }
0x41: {  	v8 =	vld [tilespmem:s25+$0xE090]  }
0x42: {  	v7 =	vld [tilespmem:s25+$0xE0A0]  }
0x43: {  	v5 =	vld [tilespmem:s25+$0xE0B0]  }
0x44: {  	v3 =	vld [tilespmem:s25+$0xE0C0]  }
0x45: {  	v4 =	vld [tilespmem:s25+$0xE0D0];
	v9 =	vmul.f32 v6, v2  }
0x46: {  	s26 =	simm.s32 $0x200;
	v8 =	vmul.f32 v8, v2;
	v6 =	vld [tilespmem:s25+$0xE0E0]  }
.LBB2_5:
0x47: {  	s28 =	sshra.s32 s26, $0x2;
	p0 =	sne.s32 s26, $0xFE00;
	[tilespmem:s25+$0xE080] =	vst v9;
	v7 =	vmul.f32 v7, v2;
	v9 =	vld [tilespmem:s25+$0xE0F0]  }
0x48: {  	v10 =	vld [tilespmem:s28+$0xA080];
	[tilespmem:s25+$0xE090] =	vst v8;
	v5 =	vmul.f32 v5, v2  }
0x49: {  	v8 =	vld [tilespmem:s28+$0xE080];
	[tilespmem:s25+$0xE0A0] =	vst v7;
	v3 =	vmul.f32 v3, v2  }
0x4a: {  	v11 =	vld [tilespmem:s28+$0xE090];
	[tilespmem:s25+$0xE0B0] =	vst v5;
	v4 =	vmul.f32 v4, v2  }
.Ltmp1:
0x4b: {  	v7 =	vld [tilespmem:s28+$0xE0A0];
	[tilespmem:s25+$0xE0C0] =	vst v3;
	v6 =	vmul.f32 v6, v2;
	(pc) =	sbr.rel @p0 .LBB2_5-.Ltmp1, $4  }
0x4c: {  	v5 =	vld [tilespmem:s28+$0xE0B0];
	[tilespmem:s25+$0xE0D0] =	vst v4;
	v12 =	vmul.f32 v9, v2  }
0x4d: {  	v3 =	vld [tilespmem:s28+$0xE0C0];
	[tilespmem:s25+$0xE0E0] =	vst v6;
	v2 =	vmov v10  }
0x4e: {  	v9 =	vmul.f32 v8, v2;
	v4 =	vld [tilespmem:s28+$0xE0D0];
	[tilespmem:s25+$0xE0F0] =	vst v12;
	s25 =	smov.u32 s28  }
0x4f: {  	s26 =	sadd.s32 $0x200, s26;
	v8 =	vmul.f32 v11, v2;
	v6 =	vld [tilespmem:s25+$0xE0E0]  }
0x50: {  	[tilespmem:s25+$0xE080] =	vst v9;
	v7 =	vmul.f32 v7, v2;
	v63 =	vld [tilespmem:s25+$0xE0F0]  }
0x51: {  	[tilespmem:s25+$0xE090] =	vst v8;
	v5 =	vmul.f32 v5, v2  }
0x52: {  	[tilespmem:s25+$0xE0A0] =	vst v7;
	v3 =	vmul.f32 v3, v2  }
0x53: {  	[tilespmem:s25+$0xE0B0] =	vst v5;
	v4 =	vmul.f32 v4, v2  }
0x54: {  	[tilespmem:s25+$0xE0C0] =	vst v3;
	v3 =	vmul.f32 v6, v2  }
0x55: {  	[tilespmem:s25+$0xE0D0] =	vst v4;
	v2 =	vmul.f32 v63, v2  }
0x56: {  	[tilespmem:s25+$0xE0E0] =	vst v3  }
0x57: {  	[tilespmem:s25+$0xE0F0] =	vst v2  }
0x58: {  	v2 =	vld [tilespmem:s24+$0x5000];
	_ =	sdelay $0x4  }
0x59: {  	v2 =	vsub.s32 v2, v0  }
0x5a: {  	v2 =	vmin.u32 v2, $0x1400  }
0x5b: {  	[tilespmem:$0xA000] =	vst v2  }
0x5c: {  	v2 =	vld [tilespmem:s24+$0x5010];
	_ =	sdelay $0x4  }
0x5d: {  	v2 =	vsub.s32 v2, v0  }
0x5e: {  	v2 =	vmin.u32 v2, $0x1400  }
0x5f: {  	[tilespmem:$0xA010] =	vst v2  }
0x60: {  	v2 =	vld [tilespmem:s24+$0x5020];
	_ =	sdelay $0x4  }
0x61: {  	v2 =	vsub.s32 v2, v0  }
0x62: {  	v2 =	vmin.u32 v2, $0x1400  }
0x63: {  	[tilespmem:$0xA020] =	vst v2  }
0x64: {  	v2 =	vld [tilespmem:s24+$0x5030];
	_ =	sdelay $0x4  }
0x65: {  	v2 =	vsub.s32 v2, v0  }
0x66: {  	v2 =	vmin.u32 v2, $0x1400  }
0x67: {  	[tilespmem:$0xA030] =	vst v2  }
0x68: {  	v2 =	vld [tilespmem:s24+$0x5040];
	_ =	sdelay $0x4  }
0x69: {  	v2 =	vsub.s32 v2, v0  }
0x6a: {  	v2 =	vmin.u32 v2, $0x1400  }
0x6b: {  	[tilespmem:$0xA040] =	vst v2  }
0x6c: {  	v2 =	vld [tilespmem:s24+$0x5050];
	_ =	sdelay $0x4  }
0x6d: {  	v2 =	vsub.s32 v2, v0  }
0x6e: {  	v2 =	vmin.u32 v2, $0x1400  }
0x6f: {  	[tilespmem:$0xA050] =	vst v2  }
0x70: {  	v2 =	vld [tilespmem:s24+$0x5060];
	_ =	sdelay $0x4  }
0x71: {  	v2 =	vsub.s32 v2, v0  }
0x72: {  	v2 =	vmin.u32 v2, $0x1400  }
0x73: {  	[tilespmem:$0xA060] =	vst v2  }
0x74: {  	v2 =	vld [tilespmem:s24+$0x5070];
	_ =	sdelay $0x4  }
0x75: {  	s23 =	sadd.s32 $0x1, s23;
	v2 =	vsub.s32 v2, v0  }
0x76: {  	p0 =	sne.s32 s23, $0x9D;
	v2 =	vmin.u32 v2, $0x1400  }
.Ltmp2:
0x77: {  	[tilespmem:$0xA070] =	vst v2;
	(pc) =	sbr.rel @p0 .LBB2_4-.Ltmp2, $4  }
0x78: {  	[spmem:s1] =	stream.indirect.scatter.add.f32 [tilespmem:s14], [sflag:$0x2], $0x80, s20, s17, $0xb8;
	[tilespmem:$0x1C100] =	vst v63  }
0x79: {  	_ =	swait.ge [sflag:s15], $0x4000  }
0x7a: {  	[sflag:s15] =	ssyncset.done $0x0  }
0x7b: {  	[sflag:s15] =	ssyncadd.s32 $0xFFFFC000  }
0x7c: {  	s3 =	sadd.s32 $0x1, s3  }
0x7d: {  	s22 =	sshll.u32 s2, $0x6;
	p0 =	sne.s32 s3, s13  }
.Ltmp3:
0x7e: {  	[bflag:$0x0] =	sbarrier.arrive $0xFFFF;
	s22 =	sor.u32 $0x1C02, s22;
	(pc) =	sbr.rel @p0 .LBB2_1-.Ltmp3, $4  }
0x7f: {  	[hbm:s12], [sflag:s22] =	dma.local [spmem:s21], $0x1400  }
0x80: {  	_ =	swait.ge [sflag:s15], $0x1400  }
0x81: {  	[sflag:s15] =	ssyncset.done $0x0  }
0x82: {  	[sflag:s15] =	ssyncadd.s32 $0xFFFFEC00  }
0x83: {  	_ =	sfence.sel $0x180000  }
0x84: {  	[bflag:$0x0] =	sbarrier.arrive $0xFFFF  }
0x85: {  	p0 =	sne.s32 s2, $0x0;
	_ =	strace $0x9000004A  }
0x86: {  	s0 =	sadd.s32 @!p0 $0x100000, s0;
	[bflag:$0x2] =	sbarrier.arrive $0xFFFF  }
0x87: {  	[sflag:s0] =	ssyncadd.tile.s32 @!p0 $0x1;
	_ =	shalt  }
.Lfunc_end2:
_tile_overlayer_lowered:
.L_overlay_start_2:
0x88: {  	(tag) =	ssettag $0x2  }
0x89: {  	s0 =	rddreg [dreg:$0x0];
	s2 =	stileid.u32  }
0x8a: {  	s1 =	rddreg [dreg:$0x1];
	p0 =	sne.s32 s2, $0x0  }
0x8b: {  	s3 =	rddreg [dreg:$0x2];
	[bflag:$0x3] =	sbarrier.arrive $0xFFFF;
	s2 =	simm.s32 @!p0 $0x1C02  }
0x8c: {  	[timem:s3], [sflag:s2] =	dma.local @!p0 [hbm:s0], s1  }
0x8d: {  	s0 =	simm.s32 @!p0 $0x2  }
0x8e: {  	_ =	swait.ge @!p0 [sflag:s0], s1  }
0x8f: {  	s1 =	ssub.s32 @!p0 $0x0, s1;
	[sflag:s0] =	ssyncset.done @!p0 $0x0  }
0x90: {  	[sflag:s0] =	ssyncadd.s32 @!p0 s1  }
0x91: {  	[bflag:$0x3] =	sbarrier.arrive $0xFFFF  }
0x92: {  	_ =	shalt  }

// kernel: kernel.14.cloned.1.call-start
scs
__scs_entry_jumppad:
0x0: {  	(pc) =	sbr.rel $0x88, $3  }
0x1: {  	(tag) =	ssettag $0x0;
	lr =	simm.s32 $0x1  }
0x2: {  	[smem:$0x3F95] =	sst lr;
	_ =	strace $0xD0000000  }
0x3: {  	_ = 	snop  }
0x4: {  	_ = 	snop  }
0x5: {  	_ = 	snop  }
0x6: {  	_ = 	snop  }
0x7: {  	_ = 	snop  }
__scs_overlays_trampoline_lowered:
0x8: {  	[smem:$0x3FA4] =	sst s0  }
0x9: {  	[smem:$0x3FA5] =	sst s1  }
0xa: {  	[smem:$0x3FA6] =	sst s2  }
0xb: {  	[smem:$0x3FA7] =	sst s3  }
0xc: {  	[smem:$0x3FA8] =	sst s4  }
0xd: {  	[smem:$0x3FA9] =	sst s5  }
0xe: {  	[smem:$0x3FAA] =	sst s6  }
0xf: {  	[smem:$0x3FAB] =	sst s7  }
0x10: {  	[smem:$0x3FAC] =	sst s8  }
0x11: {  	[smem:$0x3FAD] =	sst s9;
	s0 =	simm.s32 @!p0 $0x0  }
0x12: {  	s1 =	sld [smem:$0x3F93];
	s0 =	simm.s32 @p0 $0x1  }
0x13: {  	[smem:$0x3FAE] =	sst s0;
	s0 =	simm.s32 @!p1 $0x0  }
0x14: {  	s2 =	sld [smem:$0x3F92];
	s0 =	simm.s32 @p1 $0x1  }
0x15: {  	[smem:$0x3FAF] =	sst s0;
	s0 =	simm.s32 @!p2 $0x0  }
0x16: {  	s3 =	sld [smem:$0x3FDB];
	s0 =	simm.s32 @p2 $0x1  }
0x17: {  	s4 =	simm.s32 $0x1BF5;
	[smem:$0x3FB1] =	sst s0  }
0x18: {  	s0 =	sld [smem:$0x3F94];
	_ =	swait.ge [sflag:s4], $0x0  }
0x19: {  	s7 =	sld [smem:$0x3F95]  }
0x1a: {  	s8 =	sadd.s32 $0xFFFFE003, lr  }
0x1b: {  	s9 =	sadd.s32 $0xFFFFFEF7, lr;
	s5 =	simm.s32 $0xFFFFFFFF;
	p2 =	slt.u32 s8, $0xFFFFF086  }
0x1c: {  	p1 =	slt.u32 s9, $0xF7A;
	s5 =	simm.s32 @!p2 $0x0  }
0x1d: {  	s5 =	simm.s32 @p1 $0x1;
	p0 =	seq.s32 s7, s2  }
0x1e: {  	s7 =	smul.u32 @!p0 $0xF7A, s2;
	p2 =	seq.s32 @!p0 s5, $0x0  }
0x1f: {  	s9 =	smul.u32 $0xF7A, s1;
	s8 =	simm.s32 @!p0 $0x1BF5;
	p2 =	por !p2, p0  }
0x20: {  	[sflag:s8] =	ssyncset.s32 @!p0 $0xFFFFF086;
	s6 =	sadd.s32 @!p0 s3, s7;
	s7 =	simm.s32 @!p0 $0x108  }
0x21: {  	s3 =	sadd.s32 s3, s9;
	s6 =	sadd.s32 @!p0 $0x88, s6;
	s7 =	simm.s32 @p2 $0x1082  }
0x22: {  	[simem:s7], [sflag:s8] =	dma.local @!p0 [hbm:s6], $0xF7A  }
0x23: {  	s9 =	sor.u32 $0xD0000000, s2;
	s6 =	simm.s32 $0x108;
	_ =	swait.ge @!p0 [sflag:s8], $0x0  }
0x24: {  	s3 =	sadd.s32 $0x88, s3;
	s6 =	simm.s32 @!p1 $0x1082;
	[sflag:s4] =	ssyncset.s32 $0xFFFFF086  }
0x25: {  	[simem:s6], [sflag:s4] =	dma.local [hbm:s3], $0xF7A  }
0x26: {  	[smem:$0x3F95] =	sst s1;
	(tag) =	ssettag s2;
	_ =	strace s9  }
0x27: {  	s1 =	sld [smem:$0x3FA5]  }
0x28: {  	s2 =	sld [smem:$0x3FA6]  }
0x29: {  	s4 =	sld [smem:$0x3FA8]  }
0x2a: {  	p0 =	seq.s32 s5, $0x0;
	s5 =	sld [smem:$0x3FA9]  }
0x2b: {  	s6 =	sld [smem:$0x3FAA]  }
0x2c: {  	s7 =	sld [smem:$0x3FAB]  }
0x2d: {  	s3 =	simm.s32 $0x108;
	s8 =	sld [smem:$0x3FAC]  }
0x2e: {  	s3 =	simm.s32 @!p0 $0x1082;
	s9 =	sld [smem:$0x3FAD]  }
0x2f: {  	lr =	sadd.s32 s0, s3;
	s0 =	sld [smem:$0x3FA4]  }
0x30: {  	s3 =	sld [smem:$0x3FA7]  }
0x31: {  	[smem:$0x3FB0] =	sst s10  }
0x32: {  	s10 =	sld [smem:$0x3FAE];
	_ =	sdelay $0x3  }
0x33: {  	p0 =	seq.s32 s10, $0x1;
	s10 =	sld [smem:$0x3FB0];
	_ =	sdelay $0x3  }
0x34: {  	[smem:$0x3FB0] =	sst s10  }
0x35: {  	s10 =	sld [smem:$0x3FAF];
	_ =	sdelay $0x3  }
0x36: {  	p1 =	seq.s32 s10, $0x1;
	s10 =	sld [smem:$0x3FB0];
	_ =	sdelay $0x3  }
0x37: {  	[smem:$0x3FB0] =	sst s10  }
0x38: {  	s10 =	sld [smem:$0x3FB1]  }
0x39: {  	_ = 	snop;
	(pc) =	sbr.ind lr, $3  }
0x3a: {  	_ = 	snop  }
0x3b: {  	_ = 	snop  }
0x3c: {  	p2 =	seq.s32 s10, $0x1;
	s10 =	sld [smem:$0x3FB0]  }
0x3d: {  	_ =	shalt  }
0x3e: {  	_ =	shalt  }
0x3f: {  	_ =	shalt  }
0x40: {  	_ =	shalt  }
0x41: {  	_ =	shalt  }
0x42: {  	_ =	shalt  }
0x43: {  	_ =	shalt  }
0x44: {  	_ =	shalt  }
0x45: {  	_ =	shalt  }
0x46: {  	_ =	shalt  }
0x47: {  	_ =	shalt  }
0x48: {  	_ =	shalt  }
0x49: {  	_ =	shalt  }
0x4a: {  	_ =	shalt  }
0x4b: {  	_ =	shalt  }
0x4c: {  	_ =	shalt  }
0x4d: {  	_ =	shalt  }
0x4e: {  	_ =	shalt  }
0x4f: {  	_ =	shalt  }
0x50: {  	_ =	shalt  }
0x51: {  	_ =	shalt  }
0x52: {  	_ =	shalt  }
0x53: {  	_ =	shalt  }
0x54: {  	_ =	shalt  }
0x55: {  	_ =	shalt  }
0x56: {  	_ =	shalt  }
0x57: {  	_ =	shalt  }
0x58: {  	_ =	shalt  }
0x59: {  	_ =	shalt  }
0x5a: {  	_ =	shalt  }
0x5b: {  	_ =	shalt  }
0x5c: {  	_ =	shalt  }
0x5d: {  	_ =	shalt  }
0x5e: {  	_ =	shalt  }
0x5f: {  	_ =	shalt  }
0x60: {  	_ =	shalt  }
0x61: {  	_ =	shalt  }
0x62: {  	_ =	shalt  }
0x63: {  	_ =	shalt  }
0x64: {  	_ =	shalt  }
0x65: {  	_ =	shalt  }
0x66: {  	_ =	shalt  }
0x67: {  	_ =	shalt  }
0x68: {  	_ =	shalt  }
0x69: {  	_ =	shalt  }
0x6a: {  	_ =	shalt  }
0x6b: {  	_ =	shalt  }
0x6c: {  	_ =	shalt  }
0x6d: {  	_ =	shalt  }
0x6e: {  	_ =	shalt  }
0x6f: {  	_ =	shalt  }
0x70: {  	_ =	shalt  }
0x71: {  	_ =	shalt  }
0x72: {  	_ =	shalt  }
0x73: {  	_ =	shalt  }
0x74: {  	_ =	shalt  }
0x75: {  	_ =	shalt  }
0x76: {  	_ =	shalt  }
0x77: {  	_ =	shalt  }
0x78: {  	_ =	shalt  }
0x79: {  	_ =	shalt  }
0x7a: {  	_ =	shalt  }
0x7b: {  	_ =	shalt  }
0x7c: {  	_ =	shalt  }
0x7d: {  	_ =	shalt  }
0x7e: {  	_ =	shalt  }
0x7f: {  	_ =	shalt  }
0x80: {  	_ =	shalt  }
0x81: {  	_ =	shalt  }
0x82: {  	_ =	shalt  }
0x83: {  	_ =	shalt  }
0x84: {  	_ =	shalt  }
0x85: {  	_ =	shalt  }
0x86: {  	_ =	shalt  }
0x87: {  	_ =	shalt  }
.Lfunc_end0:
.L_simem_size_0:
called_computation.2_lowered:
.L_overlay_start_0:
0x88: {  	s2 =	sld [smem:$0x3FD9]  }
0x89: {  	s3 =	sld [smem:$0x3FFE];
	_ =	sdelay $0x1  }
0x8a: {  	s1 =	srdreg.scid  }
0x8b: {  	s0 =	sand.u32 $0x1, s1  }
0x8c: {  	s16 =	sshll.u32 s0, $0xA;
	s2 =	sadd.s32 s3, s2  }
0x8d: {  	s2 =	sadd.s32 s2, s16  }
0x8e: {  	[smem:$0x3FBC] =	sst s2  }
0x8f: {  	_ = 	snop  }
0x90: {  	(tm) =	ssettm $0x1  }
0x91: {  	s17 =	sld [smem:$0x3FFB];
	_ =	sdelay $0x3  }
0x92: {  	_ =	strace s17  }
0x93: {  	s2 =	sld [smem:$0x3FFC];
	_ =	sdelay $0x3  }
0x94: {  	_ =	strace s2  }
0x95: {  	s2 =	sld [smem:$0x3FFD];
	_ =	sdelay $0x3  }
0x96: {  	_ =	strace s2  }
0x97: {  	_ =	strace $0x8FFFFFFF  }
0x98: {  	s18 =	sld [smem:$0x3FDB];
	_ =	sdelay $0x1  }
0x99: {  	s19 =	simm.s32 $_scs_section_size  }
0x9a: {  	s4 =	simm.s32 $_size__tile_overlayer_lowered;
	s5 =	simm.s32 $_tile_overlayer_lowered  }
0x9b: {  	s22 =	simm.s32 $0x1BFF;
	s21 =	sshll.u32 s5, $0x1;
	s2 =	sadd.s32 s19, s18  }
0x9c: {  	s6 =	simm.s32 $0x0;
	s20 =	sshll.u32 s4, $0x1;
	s4 =	sadd.s32 s21, s2  }
0x9d: {  	[timem:s6], [sflag:s22] =	dma.local [hbm:s4], s20  }
0x9e: {  	_ =	swait.ge [sflag:s22], s20  }
0x9f: {  	s3 =	ssub.s32 $0x0, s20;
	[sflag:s22] =	ssyncset.done $0x0  }
0xa0: {  	[sflag:s22] =	ssyncadd.s32 s3;
	_ =	sdelay $0x1  }
0xa1: {  	s23 =	simm.s32 $0x1B8B  }
0xa2: {  	_ =	swait.ge [sflag:s23], $0x1  }
0xa3: {  	[sflag:s23] =	ssyncset.done $0x0  }
0xa4: {  	s25 =	simm.s32 $0x1B8E;
	s24 =	sld [smem:$0x3FFE];
	[sflag:s23] =	ssyncadd.s32 $0xFFFFFFFF  }
0xa5: {  	s26 =	simm.s32 $execute0_lowered;
	[smem:$0x3FD2] =	sst s25  }
0xa6: {  	s4 =	sshll.u32 s26, $0x1;
	_ =	strace $0x8000004C;
	[dreg:$0x1] =	wrdreg $0xFFFFFFFF  }
0xa7: {  	s28 =	simm.s32 $_size_execute0_lowered;
	s2 =	sadd.s32 s2, s4;
	[dreg:$0x0] =	wrdreg $0x0  }
0xa8: {  	s4 =	sshll.u32 s28, $0x1;
	[dreg:$0x2] =	wrdreg s2  }
0xa9: {  	[dreg:$0x3] =	wrdreg s4  }
0xaa: {  	[dreg:$0x4] =	wrdreg $0xC0  }
0xab: {  	_ =	task [dreg:s6], $0x5FFFF  }
0xac: {  	[dreg:$0x1] =	wrdreg $0xFFFFFFFF  }
0xad: {  	[dreg:$0x0] =	wrdreg $0x60  }
0xae: {  	[dreg:$0x2] =	wrdreg s24  }
0xaf: {  	[dreg:$0x3] =	wrdreg $0x120800  }
0xb0: {  	[dreg:$0x4] =	wrdreg $0x9  }
0xb1: {  	_ =	task.clear_ibuf [dreg:s6], $0x5FFFF;
	_ =	strace $0x9000004C  }
0xb2: {  	s29 =	simm.s32 $0x9;
	_ =	strace $0x8000004E  }
0xb3: {  	_ =	swait.ge [sflag:s29], $0x1  }
0xb4: {  	[sflag:s29] =	ssyncadd.s32 $0xFFFFFFFF  }
0xb5: {  	_ =	strace $0x9000004E  }
0xb6: {  	_ =	sfence  }
0xb7: {  	s30 =	sld [smem:$0x0];
	_ =	sdelay $0x2  }
0xb8: {  	s31 =	sshll.u32 s1, $0xD;
	s1 =	sshrl.u32 s1, $0x2  }
0xb9: {  	s3 =	sand.u32 $0x4000, s31;
	s1 =	sadd.s32 s1, s30  }
0xba: {  	s0 =	sor.u32 s3, s0;
	s1 =	sshll.u32 s1, $0x11  }
0xbb: {  	s0 =	sor.u32 s1, s0  }
0xbc: {  	s0 =	sadd.s32 $0x8F2B, s0  }
0xbd: {  	[sflag:s0] =	ssyncadd.remote.s32 $0x1  }
0xbe: {  	_ =	sfence.sel $0xFFFF  }
0xbf: {  	[dreg:$0x0] =	wrdreg $0xFFFFFFFF;
	(pc) =	sbr.abs _section_cstart, $3  }
0xc0: {  	[dreg:$0x1] =	wrdreg $0xFFFFFFFF  }
0xc1: {  	_ =	task.clear_ibuf [dreg:s6], $0x2FFFF;
	_ =	strace $0x9FFFFFFF  }
0xc2: {  	(tm) =	ssettm $0x7FFFFFFF  }
0xc3: {  	_ =	shalt  }
tec
execute0_lowered:
.L_overlay_start_1:
0x0: {  	(tag) =	ssettag $0x1  }
0x1: {  	s6 =	rddreg [dreg:$0x0]  }
0x2: {  	s1 =	rddreg [dreg:$0x1];
	s2 =	srdreg.scid  }
0x3: {  	s0 =	rddreg [dreg:$0x2];
	s3 =	simm.s32 $0x0;
	s7 =	sand.u32 $0x1, s2  }
0x4: {  	s15 =	simm.s32 $0x2;
	s2 =	stileid.u32;
	s19 =	smul.u32 $0x1400, s7  }
0x5: {  	s16 =	simm.s32 $0x5000;
	s17 =	simm.s32 $0x80;
	s5 =	smul.u32 $0x140, s2  }
0x6: {  	s18 =	simm.s32 $0x1;
	s20 =	simm.s32 $0xA000;
	s8 =	smul.u32 $0xA00, s2  }
0x7: {  	[smem:$0x7FF] =	sst s3;
	s4 =	sadd.s32 $0x2C600, s6;
	s10 =	smul.u32 $0x28200, s2  }
0x8: {  	_ =	strace $0x8000004D;
	s7 =	ssub.s32 $0x2, s7;
	s13 =	smul.u32 $0x28000, s2  }
0x9: {  	s31 =	sshrl.u32 s7, $0x1;
	s9 =	sadd.s32 s5, s19;
	s11 =	sadd.s32 s8, s6  }
0xa: {  	s5 =	sadd.s32 $0x7C600, s6;
	s30 =	sshrl.u32 s10, $0x2;
	s14 =	ssub.s32 s7, s31  }
0xb: {  	s13 =	sshrl.u32 s13, $0x2;
	v0 =	vmov s19;
	s19 =	simm.s32 $0xA080;
	s29 =	sshll.u32 s9, $0x4  }
0xc: {  	s9 =	sadd.s32 $0x22600, s11;
	s10 =	sadd.s32 $0x18600, s11;
	s11 =	smul.u32 $0x274000, s2  }
0xd: {  	s21 =	sadd.s32 s13, s1;
	s13 =	smax.u32 s14, $0x1;
	s14 =	simm.s32 $0xE080  }
0xe: {  	s12 =	sadd.s32 s29, s6;
	s6 =	sadd.s32 s30, s1;
	s21 =	sshrl.u32 s21, $0x3  }
0xf: {  	v1 =	vimm.f32 $0.0e+00;
	s7 =	sadd.s32 $0x4000, s6;
	s8 =	sadd.s32 $0x8000, s6;
	s12 =	sadd.s32 $0x564600, s12  }
.LBB2_1:
0x10: {  	s22 =	simm.s32 $0x0;
	s23 =	simm.s32 $0x200  }
.LBB2_2:
0x11: {  	p0 =	sne.s32 s23, $0xFE00;
	[tilespmem:s22+$0xE0F0] =	vst v1  }
0x12: {  	[tilespmem:s22+$0xE080] =	vst v1  }
0x13: {  	[tilespmem:s22+$0xE090] =	vst v1  }
.Ltmp0:
0x14: {  	[tilespmem:s22+$0xE0A0] =	vst v1;
	(pc) =	sbr.rel @p0 .LBB2_2-.Ltmp0, $4  }
0x15: {  	[tilespmem:s22+$0xE0B0] =	vst v1  }
0x16: {  	[tilespmem:s22+$0xE0C0] =	vst v1  }
0x17: {  	[tilespmem:s22+$0xE0D0] =	vst v1  }
0x18: {  	[tilespmem:s22+$0xE0E0] =	vst v1;
	s22 =	sshra.s32 s23, $0x2;
	s23 =	sadd.s32 $0x200, s23  }
0x19: {  	[tilespmem:s22+$0xE0F0] =	vst v1  }
0x1a: {  	[tilespmem:s22+$0xE080] =	vst v1  }
0x1b: {  	[tilespmem:s22+$0xE090] =	vst v1  }
0x1c: {  	[tilespmem:s22+$0xE0A0] =	vst v1  }
0x1d: {  	[tilespmem:s22+$0xE0B0] =	vst v1  }
0x1e: {  	[tilespmem:s22+$0xE0C0] =	vst v1  }
0x1f: {  	[tilespmem:s22+$0xE0D0] =	vst v1  }
0x20: {  	[tilespmem:s22+$0xE0E0] =	vst v1  }
0x21: {  	[spmem:s6] =	stream.linear.scatter [tilespmem:s14], [sflag:$0x2], $0x4000, $0x38;
	[tilespmem:$0x1C100] =	vst v63  }
0x22: {  	_ =	swait.ge [sflag:s15], $0x4000  }
0x23: {  	[sflag:s15] =	ssyncset.done $0x0  }
0x24: {  	[sflag:s15] =	ssyncadd.s32 $0xFFFFC000  }
0x25: {  	[spmem:s7] =	stream.linear.scatter [tilespmem:s14], [sflag:$0x2], $0x4000, $0x38;
	[tilespmem:$0x1C100] =	vst v63  }
0x26: {  	_ =	swait.ge [sflag:s15], $0x4000  }
0x27: {  	[sflag:s15] =	ssyncset.done $0x0  }
0x28: {  	[sflag:s15] =	ssyncadd.s32 $0xFFFFC000  }
0x29: {  	[spmem:s8] =	stream.linear.scatter [tilespmem:s14], [sflag:$0x2], $0x2080, $0x38;
	[tilespmem:$0x1C100] =	vst v63  }
0x2a: {  	_ =	swait.ge [sflag:s15], $0x2080  }
0x2b: {  	[sflag:s15] =	ssyncset.done $0x0  }
0x2c: {  	[sflag:s15] =	ssyncadd.s32 $0xFFFFDF80  }
0x2d: {  	s22 =	simm.s32 $0x0;
	[bflag:$0x0] =	sbarrier.arrive $0xFFFF  }
0x2e: {  	[tilespmem:s22], [sflag:$0x2] =	stream.linear.gather [hbm4b:s9+s22], $0x4E80, $0x38;
	[tilespmem:$0x1C100] =	vst v63  }
0x2f: {  	_ =	swait.ge [sflag:s15], $0x4E80  }
0x30: {  	[sflag:s15] =	ssyncset.done $0x0  }
0x31: {  	[sflag:s15] =	ssyncadd.s32 $0xFFFFB180  }
0x32: {  	[tilespmem:s16], [sflag:$0x2] =	stream.linear.gather [hbm4b:s10+s22], $0x4E80, $0x38;
	[tilespmem:$0x1C100] =	vst v63  }
0x33: {  	_ =	swait.ge [sflag:s15], $0x4E80  }
0x34: {  	[sflag:s15] =	ssyncset.done $0x0  }
0x35: {  	s23 =	simm.s32 $0x0;
	[sflag:s15] =	ssyncadd.s32 $0xFFFFB180  }
.LBB2_4:
0x36: {  	s24 =	sshll.u32 s23, $0x7;
	s25 =	sshll.u32 s23, $0xE  }
0x37: {  	[tilespmem:s14], [sflag:$0x1] =	stream.indirect.gather [hbm4b:s4+s17], $0x80, s24, s17, $0xb8;
	[tilespmem:$0x1C100] =	vst v63  }
0x38: {  	s25 =	sadd.s32 s11, s25;
	_ =	swait.ge [sflag:s18], $0x4000  }
0x39: {  	s25 =	sshrl.u32 s25, $0x3;
	[sflag:s18] =	ssyncset.done $0x0  }
0x3a: {  	s25 =	sadd.s32 s5, s25;
	[sflag:s18] =	ssyncadd.s32 $0xFFFFC000  }
0x3b: {  	[tilespmem:s19], [sflag:$0x2] =	stream.linear.gather [hbm4b:s25+s22], $0x4000, $0x38;
	[tilespmem:$0x1C100] =	vst v63  }
0x3c: {  	_ =	swait.ge [sflag:s15], $0x4000  }
0x3d: {  	[sflag:s15] =	ssyncset.done $0x0  }
0x3e: {  	s25 =	simm.s32 $0x0;
	[sflag:s15] =	ssyncadd.s32 $0xFFFFC000  }
0x3f: {  	v2 =	vld [tilespmem:s25+$0xA080]  }
0x40: {  	v6 =	vld [tilespmem:s25+$0xE080]  }
0x41: {  	v8 =	vld [tilespmem:s25+$0xE090]  }
0x42: {  	v7 =	vld [tilespmem:s25+$0xE0A0]  }
0x43: {  	v5 =	vld [tilespmem:s25+$0xE0B0]  }
0x44: {  	v3 =	vld [tilespmem:s25+$0xE0C0]  }
0x45: {  	v4 =	vld [tilespmem:s25+$0xE0D0];
	v9 =	vmul.f32 v6, v2  }
0x46: {  	s26 =	simm.s32 $0x200;
	v8 =	vmul.f32 v8, v2;
	v6 =	vld [tilespmem:s25+$0xE0E0]  }
.LBB2_5:
0x47: {  	s28 =	sshra.s32 s26, $0x2;
	p0 =	sne.s32 s26, $0xFE00;
	[tilespmem:s25+$0xE080] =	vst v9;
	v7 =	vmul.f32 v7, v2;
	v9 =	vld [tilespmem:s25+$0xE0F0]  }
0x48: {  	v10 =	vld [tilespmem:s28+$0xA080];
	[tilespmem:s25+$0xE090] =	vst v8;
	v5 =	vmul.f32 v5, v2  }
0x49: {  	v8 =	vld [tilespmem:s28+$0xE080];
	[tilespmem:s25+$0xE0A0] =	vst v7;
	v3 =	vmul.f32 v3, v2  }
0x4a: {  	v11 =	vld [tilespmem:s28+$0xE090];
	[tilespmem:s25+$0xE0B0] =	vst v5;
	v4 =	vmul.f32 v4, v2  }
.Ltmp1:
0x4b: {  	v7 =	vld [tilespmem:s28+$0xE0A0];
	[tilespmem:s25+$0xE0C0] =	vst v3;
	v6 =	vmul.f32 v6, v2;
	(pc) =	sbr.rel @p0 .LBB2_5-.Ltmp1, $4  }
0x4c: {  	v5 =	vld [tilespmem:s28+$0xE0B0];
	[tilespmem:s25+$0xE0D0] =	vst v4;
	v12 =	vmul.f32 v9, v2  }
0x4d: {  	v3 =	vld [tilespmem:s28+$0xE0C0];
	[tilespmem:s25+$0xE0E0] =	vst v6;
	v2 =	vmov v10  }
0x4e: {  	v9 =	vmul.f32 v8, v2;
	v4 =	vld [tilespmem:s28+$0xE0D0];
	[tilespmem:s25+$0xE0F0] =	vst v12;
	s25 =	smov.u32 s28  }
0x4f: {  	s26 =	sadd.s32 $0x200, s26;
	v8 =	vmul.f32 v11, v2;
	v6 =	vld [tilespmem:s25+$0xE0E0]  }
0x50: {  	[tilespmem:s25+$0xE080] =	vst v9;
	v7 =	vmul.f32 v7, v2;
	v63 =	vld [tilespmem:s25+$0xE0F0]  }
0x51: {  	[tilespmem:s25+$0xE090] =	vst v8;
	v5 =	vmul.f32 v5, v2  }
0x52: {  	[tilespmem:s25+$0xE0A0] =	vst v7;
	v3 =	vmul.f32 v3, v2  }
0x53: {  	[tilespmem:s25+$0xE0B0] =	vst v5;
	v4 =	vmul.f32 v4, v2  }
0x54: {  	[tilespmem:s25+$0xE0C0] =	vst v3;
	v3 =	vmul.f32 v6, v2  }
0x55: {  	[tilespmem:s25+$0xE0D0] =	vst v4;
	v2 =	vmul.f32 v63, v2  }
0x56: {  	[tilespmem:s25+$0xE0E0] =	vst v3  }
0x57: {  	[tilespmem:s25+$0xE0F0] =	vst v2  }
0x58: {  	v2 =	vld [tilespmem:s24+$0x5000];
	_ =	sdelay $0x4  }
0x59: {  	v2 =	vsub.s32 v2, v0  }
0x5a: {  	v2 =	vmin.u32 v2, $0x1400  }
0x5b: {  	[tilespmem:$0xA000] =	vst v2  }
0x5c: {  	v2 =	vld [tilespmem:s24+$0x5010];
	_ =	sdelay $0x4  }
0x5d: {  	v2 =	vsub.s32 v2, v0  }
0x5e: {  	v2 =	vmin.u32 v2, $0x1400  }
0x5f: {  	[tilespmem:$0xA010] =	vst v2  }
0x60: {  	v2 =	vld [tilespmem:s24+$0x5020];
	_ =	sdelay $0x4  }
0x61: {  	v2 =	vsub.s32 v2, v0  }
0x62: {  	v2 =	vmin.u32 v2, $0x1400  }
0x63: {  	[tilespmem:$0xA020] =	vst v2  }
0x64: {  	v2 =	vld [tilespmem:s24+$0x5030];
	_ =	sdelay $0x4  }
0x65: {  	v2 =	vsub.s32 v2, v0  }
0x66: {  	v2 =	vmin.u32 v2, $0x1400  }
0x67: {  	[tilespmem:$0xA030] =	vst v2  }
0x68: {  	v2 =	vld [tilespmem:s24+$0x5040];
	_ =	sdelay $0x4  }
0x69: {  	v2 =	vsub.s32 v2, v0  }
0x6a: {  	v2 =	vmin.u32 v2, $0x1400  }
0x6b: {  	[tilespmem:$0xA040] =	vst v2  }
0x6c: {  	v2 =	vld [tilespmem:s24+$0x5050];
	_ =	sdelay $0x4  }
0x6d: {  	v2 =	vsub.s32 v2, v0  }
0x6e: {  	v2 =	vmin.u32 v2, $0x1400  }
0x6f: {  	[tilespmem:$0xA050] =	vst v2  }
0x70: {  	v2 =	vld [tilespmem:s24+$0x5060];
	_ =	sdelay $0x4  }
0x71: {  	v2 =	vsub.s32 v2, v0  }
0x72: {  	v2 =	vmin.u32 v2, $0x1400  }
0x73: {  	[tilespmem:$0xA060] =	vst v2  }
0x74: {  	v2 =	vld [tilespmem:s24+$0x5070];
	_ =	sdelay $0x4  }
0x75: {  	s23 =	sadd.s32 $0x1, s23;
	v2 =	vsub.s32 v2, v0  }
0x76: {  	p0 =	sne.s32 s23, $0x9D;
	v2 =	vmin.u32 v2, $0x1400  }
.Ltmp2:
0x77: {  	[tilespmem:$0xA070] =	vst v2;
	(pc) =	sbr.rel @p0 .LBB2_4-.Ltmp2, $4  }
0x78: {  	[spmem:s1] =	stream.indirect.scatter.add.f32 [tilespmem:s14], [sflag:$0x2], $0x80, s20, s17, $0xb8;
	[tilespmem:$0x1C100] =	vst v63  }
0x79: {  	_ =	swait.ge [sflag:s15], $0x4000  }
0x7a: {  	[sflag:s15] =	ssyncset.done $0x0  }
0x7b: {  	[sflag:s15] =	ssyncadd.s32 $0xFFFFC000  }
0x7c: {  	s3 =	sadd.s32 $0x1, s3  }
0x7d: {  	s22 =	sshll.u32 s2, $0x6;
	p0 =	sne.s32 s3, s13  }
.Ltmp3:
0x7e: {  	[bflag:$0x0] =	sbarrier.arrive $0xFFFF;
	s22 =	sor.u32 $0x1C02, s22;
	(pc) =	sbr.rel @p0 .LBB2_1-.Ltmp3, $4  }
0x7f: {  	[hbm:s12], [sflag:s22] =	dma.local [spmem:s21], $0x1400  }
0x80: {  	_ =	swait.ge [sflag:s15], $0x1400  }
0x81: {  	[sflag:s15] =	ssyncset.done $0x0  }
0x82: {  	[sflag:s15] =	ssyncadd.s32 $0xFFFFEC00  }
0x83: {  	_ =	sfence.sel $0x180000  }
0x84: {  	[bflag:$0x0] =	sbarrier.arrive $0xFFFF  }
0x85: {  	p0 =	sne.s32 s2, $0x0;
	_ =	strace $0x9000004D  }
0x86: {  	s0 =	sadd.s32 @!p0 $0x100000, s0;
	[bflag:$0x2] =	sbarrier.arrive $0xFFFF  }
0x87: {  	[sflag:s0] =	ssyncadd.tile.s32 @!p0 $0x1;
	_ =	shalt  }
.Lfunc_end2:
_tile_overlayer_lowered:
.L_overlay_start_2:
0x88: {  	(tag) =	ssettag $0x2  }
0x89: {  	s0 =	rddreg [dreg:$0x0];
	s2 =	stileid.u32  }
0x8a: {  	s1 =	rddreg [dreg:$0x1];
	p0 =	sne.s32 s2, $0x0  }
0x8b: {  	s3 =	rddreg [dreg:$0x2];
	[bflag:$0x3] =	sbarrier.arrive $0xFFFF;
	s2 =	simm.s32 @!p0 $0x1C02  }
0x8c: {  	[timem:s3], [sflag:s2] =	dma.local @!p0 [hbm:s0], s1  }
0x8d: {  	s0 =	simm.s32 @!p0 $0x2  }
0x8e: {  	_ =	swait.ge @!p0 [sflag:s0], s1  }
0x8f: {  	s1 =	ssub.s32 @!p0 $0x0, s1;
	[sflag:s0] =	ssyncset.done @!p0 $0x0  }
0x90: {  	[sflag:s0] =	ssyncadd.s32 @!p0 s1  }
0x91: {  	[bflag:$0x3] =	sbarrier.arrive $0xFFFF  }
0x92: {  	_ =	shalt  }

// kernel: kernel.8.cloned.1.call-start
scs
__scs_entry_jumppad:
0x0: {  	(pc) =	sbr.rel $0x88, $3  }
0x1: {  	(tag) =	ssettag $0x0;
	lr =	simm.s32 $0x1  }
0x2: {  	[smem:$0x3F95] =	sst lr;
	_ =	strace $0xD0000000  }
0x3: {  	_ = 	snop  }
0x4: {  	_ = 	snop  }
0x5: {  	_ = 	snop  }
0x6: {  	_ = 	snop  }
0x7: {  	_ = 	snop  }
__scs_overlays_trampoline_lowered:
0x8: {  	[smem:$0x3FA4] =	sst s0  }
0x9: {  	[smem:$0x3FA5] =	sst s1  }
0xa: {  	[smem:$0x3FA6] =	sst s2  }
0xb: {  	[smem:$0x3FA7] =	sst s3  }
0xc: {  	[smem:$0x3FA8] =	sst s4  }
0xd: {  	[smem:$0x3FA9] =	sst s5  }
0xe: {  	[smem:$0x3FAA] =	sst s6  }
0xf: {  	[smem:$0x3FAB] =	sst s7  }
0x10: {  	[smem:$0x3FAC] =	sst s8  }
0x11: {  	[smem:$0x3FAD] =	sst s9;
	s0 =	simm.s32 @!p0 $0x0  }
0x12: {  	s1 =	sld [smem:$0x3F93];
	s0 =	simm.s32 @p0 $0x1  }
0x13: {  	[smem:$0x3FAE] =	sst s0;
	s0 =	simm.s32 @!p1 $0x0  }
0x14: {  	s2 =	sld [smem:$0x3F92];
	s0 =	simm.s32 @p1 $0x1  }
0x15: {  	[smem:$0x3FAF] =	sst s0;
	s0 =	simm.s32 @!p2 $0x0  }
0x16: {  	s3 =	sld [smem:$0x3FDB];
	s0 =	simm.s32 @p2 $0x1  }
0x17: {  	s4 =	simm.s32 $0x1BF5;
	[smem:$0x3FB1] =	sst s0  }
0x18: {  	s0 =	sld [smem:$0x3F94];
	_ =	swait.ge [sflag:s4], $0x0  }
0x19: {  	s7 =	sld [smem:$0x3F95]  }
0x1a: {  	s8 =	sadd.s32 $0xFFFFE003, lr  }
0x1b: {  	s9 =	sadd.s32 $0xFFFFFEF7, lr;
	s5 =	simm.s32 $0xFFFFFFFF;
	p2 =	slt.u32 s8, $0xFFFFF086  }
0x1c: {  	p1 =	slt.u32 s9, $0xF7A;
	s5 =	simm.s32 @!p2 $0x0  }
0x1d: {  	s5 =	simm.s32 @p1 $0x1;
	p0 =	seq.s32 s7, s2  }
0x1e: {  	s7 =	smul.u32 @!p0 $0xF7A, s2;
	p2 =	seq.s32 @!p0 s5, $0x0  }
0x1f: {  	s9 =	smul.u32 $0xF7A, s1;
	s8 =	simm.s32 @!p0 $0x1BF5;
	p2 =	por !p2, p0  }
0x20: {  	[sflag:s8] =	ssyncset.s32 @!p0 $0xFFFFF086;
	s6 =	sadd.s32 @!p0 s3, s7;
	s7 =	simm.s32 @!p0 $0x108  }
0x21: {  	s3 =	sadd.s32 s3, s9;
	s6 =	sadd.s32 @!p0 $0x88, s6;
	s7 =	simm.s32 @p2 $0x1082  }
0x22: {  	[simem:s7], [sflag:s8] =	dma.local @!p0 [hbm:s6], $0xF7A  }
0x23: {  	s9 =	sor.u32 $0xD0000000, s2;
	s6 =	simm.s32 $0x108;
	_ =	swait.ge @!p0 [sflag:s8], $0x0  }
0x24: {  	s3 =	sadd.s32 $0x88, s3;
	s6 =	simm.s32 @!p1 $0x1082;
	[sflag:s4] =	ssyncset.s32 $0xFFFFF086  }
0x25: {  	[simem:s6], [sflag:s4] =	dma.local [hbm:s3], $0xF7A  }
0x26: {  	[smem:$0x3F95] =	sst s1;
	(tag) =	ssettag s2;
	_ =	strace s9  }
0x27: {  	s1 =	sld [smem:$0x3FA5]  }
0x28: {  	s2 =	sld [smem:$0x3FA6]  }
0x29: {  	s4 =	sld [smem:$0x3FA8]  }
0x2a: {  	p0 =	seq.s32 s5, $0x0;
	s5 =	sld [smem:$0x3FA9]  }
0x2b: {  	s6 =	sld [smem:$0x3FAA]  }
0x2c: {  	s7 =	sld [smem:$0x3FAB]  }
0x2d: {  	s3 =	simm.s32 $0x108;
	s8 =	sld [smem:$0x3FAC]  }
0x2e: {  	s3 =	simm.s32 @!p0 $0x1082;
	s9 =	sld [smem:$0x3FAD]  }
0x2f: {  	lr =	sadd.s32 s0, s3;
	s0 =	sld [smem:$0x3FA4]  }
0x30: {  	s3 =	sld [smem:$0x3FA7]  }
0x31: {  	[smem:$0x3FB0] =	sst s10  }
0x32: {  	s10 =	sld [smem:$0x3FAE];
	_ =	sdelay $0x3  }
0x33: {  	p0 =	seq.s32 s10, $0x1;
	s10 =	sld [smem:$0x3FB0];
	_ =	sdelay $0x3  }
0x34: {  	[smem:$0x3FB0] =	sst s10  }
0x35: {  	s10 =	sld [smem:$0x3FAF];
	_ =	sdelay $0x3  }
0x36: {  	p1 =	seq.s32 s10, $0x1;
	s10 =	sld [smem:$0x3FB0];
	_ =	sdelay $0x3  }
0x37: {  	[smem:$0x3FB0] =	sst s10  }
0x38: {  	s10 =	sld [smem:$0x3FB1]  }
0x39: {  	_ = 	snop;
	(pc) =	sbr.ind lr, $3  }
0x3a: {  	_ = 	snop  }
0x3b: {  	_ = 	snop  }
0x3c: {  	p2 =	seq.s32 s10, $0x1;
	s10 =	sld [smem:$0x3FB0]  }
0x3d: {  	_ =	shalt  }
0x3e: {  	_ =	shalt  }
0x3f: {  	_ =	shalt  }
0x40: {  	_ =	shalt  }
0x41: {  	_ =	shalt  }
0x42: {  	_ =	shalt  }
0x43: {  	_ =	shalt  }
0x44: {  	_ =	shalt  }
0x45: {  	_ =	shalt  }
0x46: {  	_ =	shalt  }
0x47: {  	_ =	shalt  }
0x48: {  	_ =	shalt  }
0x49: {  	_ =	shalt  }
0x4a: {  	_ =	shalt  }
0x4b: {  	_ =	shalt  }
0x4c: {  	_ =	shalt  }
0x4d: {  	_ =	shalt  }
0x4e: {  	_ =	shalt  }
0x4f: {  	_ =	shalt  }
0x50: {  	_ =	shalt  }
0x51: {  	_ =	shalt  }
0x52: {  	_ =	shalt  }
0x53: {  	_ =	shalt  }
0x54: {  	_ =	shalt  }
0x55: {  	_ =	shalt  }
0x56: {  	_ =	shalt  }
0x57: {  	_ =	shalt  }
0x58: {  	_ =	shalt  }
0x59: {  	_ =	shalt  }
0x5a: {  	_ =	shalt  }
0x5b: {  	_ =	shalt  }
0x5c: {  	_ =	shalt  }
0x5d: {  	_ =	shalt  }
0x5e: {  	_ =	shalt  }
0x5f: {  	_ =	shalt  }
0x60: {  	_ =	shalt  }
0x61: {  	_ =	shalt  }
0x62: {  	_ =	shalt  }
0x63: {  	_ =	shalt  }
0x64: {  	_ =	shalt  }
0x65: {  	_ =	shalt  }
0x66: {  	_ =	shalt  }
0x67: {  	_ =	shalt  }
0x68: {  	_ =	shalt  }
0x69: {  	_ =	shalt  }
0x6a: {  	_ =	shalt  }
0x6b: {  	_ =	shalt  }
0x6c: {  	_ =	shalt  }
0x6d: {  	_ =	shalt  }
0x6e: {  	_ =	shalt  }
0x6f: {  	_ =	shalt  }
0x70: {  	_ =	shalt  }
0x71: {  	_ =	shalt  }
0x72: {  	_ =	shalt  }
0x73: {  	_ =	shalt  }
0x74: {  	_ =	shalt  }
0x75: {  	_ =	shalt  }
0x76: {  	_ =	shalt  }
0x77: {  	_ =	shalt  }
0x78: {  	_ =	shalt  }
0x79: {  	_ =	shalt  }
0x7a: {  	_ =	shalt  }
0x7b: {  	_ =	shalt  }
0x7c: {  	_ =	shalt  }
0x7d: {  	_ =	shalt  }
0x7e: {  	_ =	shalt  }
0x7f: {  	_ =	shalt  }
0x80: {  	_ =	shalt  }
0x81: {  	_ =	shalt  }
0x82: {  	_ =	shalt  }
0x83: {  	_ =	shalt  }
0x84: {  	_ =	shalt  }
0x85: {  	_ =	shalt  }
0x86: {  	_ =	shalt  }
0x87: {  	_ =	shalt  }
.Lfunc_end0:
.L_simem_size_0:
called_computation_lowered:
.L_overlay_start_0:
0x88: {  	s2 =	sld [smem:$0x3FD9]  }
0x89: {  	s3 =	sld [smem:$0x3FFE];
	_ =	sdelay $0x1  }
0x8a: {  	s1 =	srdreg.scid  }
0x8b: {  	s0 =	sand.u32 $0x1, s1  }
0x8c: {  	s16 =	sshll.u32 s0, $0xA;
	s2 =	sadd.s32 s3, s2  }
0x8d: {  	s2 =	sadd.s32 s2, s16  }
0x8e: {  	[smem:$0x3FBC] =	sst s2  }
0x8f: {  	_ = 	snop  }
0x90: {  	(tm) =	ssettm $0x1  }
0x91: {  	s17 =	sld [smem:$0x3FFB];
	_ =	sdelay $0x3  }
0x92: {  	_ =	strace s17  }
0x93: {  	s2 =	sld [smem:$0x3FFC];
	_ =	sdelay $0x3  }
0x94: {  	_ =	strace s2  }
0x95: {  	s2 =	sld [smem:$0x3FFD];
	_ =	sdelay $0x3  }
0x96: {  	_ =	strace s2  }
0x97: {  	_ =	strace $0x8FFFFFFF  }
0x98: {  	s18 =	sld [smem:$0x3FDB];
	_ =	sdelay $0x1  }
0x99: {  	s19 =	simm.s32 $_scs_section_size  }
0x9a: {  	s4 =	simm.s32 $_size__tile_overlayer_lowered;
	s5 =	simm.s32 $_tile_overlayer_lowered  }
0x9b: {  	s22 =	simm.s32 $0x1BFF;
	s21 =	sshll.u32 s5, $0x1;
	s2 =	sadd.s32 s19, s18  }
0x9c: {  	s6 =	simm.s32 $0x0;
	s20 =	sshll.u32 s4, $0x1;
	s4 =	sadd.s32 s21, s2  }
0x9d: {  	[timem:s6], [sflag:s22] =	dma.local [hbm:s4], s20  }
0x9e: {  	_ =	swait.ge [sflag:s22], s20  }
0x9f: {  	s3 =	ssub.s32 $0x0, s20;
	[sflag:s22] =	ssyncset.done $0x0  }
0xa0: {  	[sflag:s22] =	ssyncadd.s32 s3;
	_ =	sdelay $0x1  }
0xa1: {  	s23 =	simm.s32 $0x1B8B  }
0xa2: {  	_ =	swait.ge [sflag:s23], $0x1  }
0xa3: {  	[sflag:s23] =	ssyncset.done $0x0  }
0xa4: {  	s25 =	simm.s32 $0x1B8E;
	s24 =	sld [smem:$0x3FFE];
	[sflag:s23] =	ssyncadd.s32 $0xFFFFFFFF  }
0xa5: {  	s26 =	simm.s32 $execute0_lowered;
	[smem:$0x3FD2] =	sst s25  }
0xa6: {  	s4 =	sshll.u32 s26, $0x1;
	_ =	strace $0x80000046;
	[dreg:$0x1] =	wrdreg $0xFFFFFFFF  }
0xa7: {  	s28 =	simm.s32 $_size_execute0_lowered;
	s2 =	sadd.s32 s2, s4;
	[dreg:$0x0] =	wrdreg $0x0  }
0xa8: {  	s4 =	sshll.u32 s28, $0x1;
	[dreg:$0x2] =	wrdreg s2  }
0xa9: {  	[dreg:$0x3] =	wrdreg s4  }
0xaa: {  	[dreg:$0x4] =	wrdreg $0xC0  }
0xab: {  	_ =	task [dreg:s6], $0x5FFFF  }
0xac: {  	[dreg:$0x1] =	wrdreg $0xFFFFFFFF  }
0xad: {  	[dreg:$0x0] =	wrdreg $0x60  }
0xae: {  	[dreg:$0x2] =	wrdreg s24  }
0xaf: {  	[dreg:$0x3] =	wrdreg $0x52800  }
0xb0: {  	[dreg:$0x4] =	wrdreg $0x9  }
0xb1: {  	_ =	task.clear_ibuf [dreg:s6], $0x5FFFF;
	_ =	strace $0x90000046  }
0xb2: {  	s29 =	simm.s32 $0x9;
	_ =	strace $0x80000048  }
0xb3: {  	_ =	swait.ge [sflag:s29], $0x1  }
0xb4: {  	[sflag:s29] =	ssyncadd.s32 $0xFFFFFFFF  }
0xb5: {  	_ =	strace $0x90000048  }
0xb6: {  	_ =	sfence  }
0xb7: {  	s30 =	sld [smem:$0x0];
	_ =	sdelay $0x2  }
0xb8: {  	s31 =	sshll.u32 s1, $0xD;
	s1 =	sshrl.u32 s1, $0x2  }
0xb9: {  	s3 =	sand.u32 $0x4000, s31;
	s1 =	sadd.s32 s1, s30  }
0xba: {  	s0 =	sor.u32 s3, s0;
	s1 =	sshll.u32 s1, $0x11  }
0xbb: {  	s0 =	sor.u32 s1, s0  }
0xbc: {  	s0 =	sadd.s32 $0x8F2B, s0  }
0xbd: {  	[sflag:s0] =	ssyncadd.remote.s32 $0x1  }
0xbe: {  	_ =	sfence.sel $0xFFFF  }
0xbf: {  	[dreg:$0x0] =	wrdreg $0xFFFFFFFF;
	(pc) =	sbr.abs _section_cstart, $3  }
0xc0: {  	[dreg:$0x1] =	wrdreg $0xFFFFFFFF  }
0xc1: {  	_ =	task.clear_ibuf [dreg:s6], $0x2FFFF;
	_ =	strace $0x9FFFFFFF  }
0xc2: {  	(tm) =	ssettm $0x7FFFFFFF  }
0xc3: {  	_ =	shalt  }
tec
execute0_lowered:
.L_overlay_start_1:
0x0: {  	(tag) =	ssettag $0x1  }
0x1: {  	s4 =	rddreg [dreg:$0x0]  }
0x2: {  	s1 =	rddreg [dreg:$0x1]  }
0x3: {  	s2 =	srdreg.scid;
	s0 =	rddreg [dreg:$0x2];
	s3 =	simm.s32 $0x0  }
0x4: {  	s10 =	simm.s32 $0x1;
	s11 =	simm.s32 $0x2800;
	s12 =	simm.s32 $0x80  }
0x5: {  	s15 =	simm.s32 $0x20;
	s16 =	simm.s32 $0x10;
	s17 =	simm.s32 $0x0  }
0x6: {  	s5 =	sand.u32 $0x1, s2;
	s2 =	stileid.u32;
	[smem:$0x7FF] =	sst s3  }
0x7: {  	s6 =	sshll.u32 s5, $0x4;
	s7 =	smul.u32 $0x500, s2;
	_ =	strace $0x80000047  }
0x8: {  	s8 =	sshll.u32 s5, $0x7;
	s5 =	ssub.s32 $0x2, s5;
	s30 =	smul.u32 $0xA00, s2  }
0x9: {  	s13 =	sshll.u32 s2, $0x6;
	s6 =	sor.u32 s2, s6;
	s9 =	sshrl.u32 s5, $0x1  }
0xa: {  	s13 =	sor.u32 $0x1C01, s13;
	s6 =	smul.u32 $0x500, s6;
	s7 =	sor.u32 s8, s7  }
0xb: {  	s9 =	ssub.s32 s5, s9;
	s31 =	sshrl.u32 s30, $0x2;
	s7 =	sshrl.u32 s7, $0x3  }
0xc: {  	s8 =	smax.u32 s9, $0x1;
	s9 =	simm.s32 $0x5000;
	s6 =	sadd.s32 s6, s4  }
0xd: {  	s7 =	sadd.s32 s7, s4;
	s4 =	sadd.s32 s31, s1;
	s5 =	sadd.s32 $0x3C00, s6  }
0xe: {  	v0 =	vimm.f32 $0.0e+00;
	s6 =	sadd.s32 $0xDC00, s6;
	s7 =	sadd.s32 $0x17C00, s7;
	s14 =	sshrl.u32 s4, $0x3  }
.LBB2_1:
0xf: {  	[tilespmem:$0x5000] =	vst v0  }
0x10: {  	[tilespmem:$0x5010] =	vst v0  }
0x11: {  	[tilespmem:$0x5020] =	vst v0  }
0x12: {  	[tilespmem:$0x5030] =	vst v0  }
0x13: {  	[tilespmem:$0x5040] =	vst v0  }
0x14: {  	[tilespmem:$0x5050] =	vst v0  }
0x15: {  	[tilespmem:$0x5060] =	vst v0  }
0x16: {  	[tilespmem:$0x5070] =	vst v0  }
0x17: {  	[tilespmem:$0x5080] =	vst v0  }
0x18: {  	[tilespmem:$0x5090] =	vst v0  }
0x19: {  	[tilespmem:$0x50A0] =	vst v0  }
0x1a: {  	[tilespmem:$0x50B0] =	vst v0  }
0x1b: {  	[tilespmem:$0x50C0] =	vst v0  }
0x1c: {  	[tilespmem:$0x50D0] =	vst v0  }
0x1d: {  	[tilespmem:$0x50E0] =	vst v0  }
0x1e: {  	[tilespmem:$0x50F0] =	vst v0  }
0x1f: {  	[tilespmem:$0x5100] =	vst v0  }
0x20: {  	[tilespmem:$0x5110] =	vst v0  }
0x21: {  	[tilespmem:$0x5120] =	vst v0  }
0x22: {  	[tilespmem:$0x5130] =	vst v0  }
0x23: {  	[tilespmem:$0x5140] =	vst v0  }
0x24: {  	[tilespmem:$0x5150] =	vst v0  }
0x25: {  	[tilespmem:$0x5160] =	vst v0  }
0x26: {  	[tilespmem:$0x5170] =	vst v0  }
0x27: {  	[tilespmem:$0x5180] =	vst v0  }
0x28: {  	[tilespmem:$0x5190] =	vst v0  }
0x29: {  	[tilespmem:$0x51A0] =	vst v0  }
0x2a: {  	[tilespmem:$0x51B0] =	vst v0  }
0x2b: {  	[tilespmem:$0x51C0] =	vst v0  }
0x2c: {  	[tilespmem:$0x51D0] =	vst v0  }
0x2d: {  	[tilespmem:$0x51E0] =	vst v0  }
0x2e: {  	[tilespmem:$0x51F0] =	vst v0  }
0x2f: {  	[tilespmem:$0x5200] =	vst v0  }
0x30: {  	[tilespmem:$0x5210] =	vst v0  }
0x31: {  	[tilespmem:$0x5220] =	vst v0  }
0x32: {  	[tilespmem:$0x5230] =	vst v0  }
0x33: {  	[tilespmem:$0x5240] =	vst v0  }
0x34: {  	[tilespmem:$0x5250] =	vst v0  }
0x35: {  	[tilespmem:$0x5260] =	vst v0  }
0x36: {  	[tilespmem:$0x5270] =	vst v0  }
0x37: {  	[spmem:s4] =	stream.linear.scatter [tilespmem:s9], [sflag:$0x1], $0x280, $0x38;
	[tilespmem:$0x5500] =	vst v63  }
0x38: {  	_ =	swait.ge [sflag:s10], $0x280  }
0x39: {  	[sflag:s10] =	ssyncset.done $0x0  }
0x3a: {  	[sflag:s10] =	ssyncadd.s32 $0xFFFFFD80  }
0x3b: {  	[bflag:$0x0] =	sbarrier.arrive $0xFFFF  }
0x3c: {  	[tilespmem:s3], [sflag:$0x1] =	stream.linear.gather [hbm4b:s5+s3], $0x2780, $0x38;
	[tilespmem:$0x5500] =	vst v63  }
0x3d: {  	_ =	swait.ge [sflag:s10], $0x2780  }
0x3e: {  	[sflag:s10] =	ssyncset.done $0x0  }
0x3f: {  	[sflag:s10] =	ssyncadd.s32 $0xFFFFD880  }
0x40: {  	[tilespmem:s11], [sflag:$0x1] =	stream.linear.gather [hbm4b:s6+s3], $0x2780, $0x38;
	[tilespmem:$0x5500] =	vst v63  }
0x41: {  	_ =	swait.ge [sflag:s10], $0x2780  }
0x42: {  	[sflag:s10] =	ssyncset.done $0x0  }
0x43: {  	s18 =	simm.s32 $0x0;
	s19 =	simm.s32 $0x2800;
	[sflag:s10] =	ssyncadd.s32 $0xFFFFD880  }
0x44: {  	[spmem:s1] =	stream.indirect.scatter.add.f32 [tilespmem:s19], [sflag:$0x1], $0x1, s18, s12, $0xb8;
	[tilespmem:$0x5500] =	vst v63  }
0x45: {  	s18 =	simm.s32 $0x200;
	_ =	swait.ge [sflag:s10], $0x80  }
.LBB2_2:
0x46: {  	s19 =	sshra.s32 s18, $0x2;
	[sflag:s10] =	ssyncset.done $0x0;
	p0 =	sne.s32 s18, $0x9C00  }
.Ltmp0:
0x47: {  	s20 =	sadd.s32 $0x2800, s19;
	[sflag:s10] =	ssyncadd.s32 $0xFFFFFF80;
	(pc) =	sbr.rel @p0 .LBB2_2-.Ltmp0, $3  }
0x48: {  	[spmem:s1] =	stream.indirect.scatter.add.f32 [tilespmem:s20], [sflag:$0x1], $0x1, s19, s12, $0xb8;
	[tilespmem:$0x5500] =	vst v63  }
0x49: {  	s18 =	sadd.s32 $0x200, s18;
	_ =	sdelay $0x1  }
0x4a: {  	_ =	swait.ge [sflag:s10], $0x80  }
0x4b: {  	[sflag:s10] =	ssyncset.done $0x0;
	s17 =	sadd.s32 $0x1, s17  }
0x4c: {  	[sflag:s10] =	ssyncadd.s32 $0xFFFFFF80;
	p0 =	sne.s32 s17, s8  }
.Ltmp1:
0x4d: {  	[bflag:$0x0] =	sbarrier.arrive $0xFFFF;
	(pc) =	sbr.rel @p0 .LBB2_1-.Ltmp1, $4  }
0x4e: {  	[hbm:s7@s15], [sflag:s13] =	dma.strided [spmem:s14@s16], $0x50, s10, $0x10   }
0x4f: {  	_ =	swait.ge [sflag:s10], $0x50  }
0x50: {  	[sflag:s10] =	ssyncset.done $0x0  }
0x51: {  	[sflag:s10] =	ssyncadd.s32 $0xFFFFFFB0  }
0x52: {  	_ =	sfence.sel $0x180000  }
0x53: {  	[bflag:$0x0] =	sbarrier.arrive $0xFFFF  }
0x54: {  	p0 =	sne.s32 s2, $0x0;
	_ =	strace $0x90000047  }
0x55: {  	s0 =	sadd.s32 @!p0 $0x100000, s0;
	[bflag:$0x2] =	sbarrier.arrive $0xFFFF  }
0x56: {  	[sflag:s0] =	ssyncadd.tile.s32 @!p0 $0x1;
	_ =	shalt  }
.Lfunc_end2:
_tile_overlayer_lowered:
.L_overlay_start_2:
0x57: {  	(tag) =	ssettag $0x2  }
0x58: {  	s0 =	rddreg [dreg:$0x0];
	s2 =	stileid.u32  }
0x59: {  	s1 =	rddreg [dreg:$0x1];
	p0 =	sne.s32 s2, $0x0  }
0x5a: {  	s3 =	rddreg [dreg:$0x2];
	[bflag:$0x3] =	sbarrier.arrive $0xFFFF;
	s2 =	simm.s32 @!p0 $0x1C01  }
0x5b: {  	[timem:s3], [sflag:s2] =	dma.local @!p0 [hbm:s0], s1  }
0x5c: {  	s0 =	simm.s32 @!p0 $0x1  }
0x5d: {  	_ =	swait.ge @!p0 [sflag:s0], s1  }
0x5e: {  	s1 =	ssub.s32 @!p0 $0x0, s1;
	[sflag:s0] =	ssyncset.done @!p0 $0x0  }
0x5f: {  	[sflag:s0] =	ssyncadd.s32 @!p0 s1  }
0x60: {  	[bflag:$0x3] =	sbarrier.arrive $0xFFFF  }
0x61: {  	_ =	shalt  }

</sc_bundles>
